<compile_context>
chip_gen: v7x
topology: tpu7x:2x2x1
jax: 0.10.2.dev20260603
libtpu: 0.0.44.dev20260713+nightly
codegen_flags: <defaults>
</compile_context>

<pallas_src>
import functools

import jax
import jax.numpy as jnp
from jax import lax
from jax.experimental import pallas as pl
from jax.experimental.pallas import tpu as pltpu
from jax.experimental.pallas import tpu_sc as plsc

N_NODES = 10000
N_EDGES = 320000
D_FEAT = 128

NW = 32
E_PER_W = N_EDGES // NW
CHUNK = 80
NCHUNK = E_PER_W // CHUNK
GROUPS = CHUNK // 16

_mesh = plsc.VectorSubcoreMesh(core_axis_name="c", subcore_axis_name="s")


@functools.partial(
    pl.kernel,
    out_type=jax.ShapeDtypeStruct((N_EDGES,), jnp.float32),
    mesh=_mesh,
    compiler_params=pltpu.CompilerParams(needs_layout_passes=False),
    scratch_types=[
        pltpu.VMEM((E_PER_W,), jnp.int32),
        pltpu.VMEM((E_PER_W,), jnp.int32),
        pltpu.VMEM((CHUNK, D_FEAT), jnp.float32),
        pltpu.VMEM((CHUNK, D_FEAT), jnp.float32),
        pltpu.VMEM((CHUNK, D_FEAT), jnp.float32),
        pltpu.VMEM((CHUNK, D_FEAT), jnp.float32),
        pltpu.VMEM((E_PER_W,), jnp.float32),
        pltpu.VMEM((16 * 17,), jnp.float32),
        pltpu.SemaphoreType.DMA,
        pltpu.SemaphoreType.DMA,
        pltpu.SemaphoreType.DMA,
        pltpu.SemaphoreType.DMA,
    ],
)
def _decode_probs(z_hbm, row_hbm, col_hbm, out_hbm,
                  ridx, cidx, a0, b0, a1, b1, obuf, tbuf,
                  sem_a0, sem_b0, sem_a1, sem_b1):
    wid = lax.axis_index("s") * 2 + lax.axis_index("c")
    base = wid * E_PER_W
    lanes = lax.iota(jnp.int32, 16)
    col_idx = [(lanes * 17) + j for j in range(16)]

    pltpu.sync_copy(row_hbm.at[pl.ds(base, E_PER_W)], ridx)
    pltpu.sync_copy(col_hbm.at[pl.ds(base, E_PER_W)], cidx)

    def gather(ci, abuf, bbuf, sa, sb):
        sl = pl.ds(ci * CHUNK, CHUNK)
        pltpu.async_copy(z_hbm.at[ridx.at[sl]], abuf, sa)
        pltpu.async_copy(z_hbm.at[cidx.at[sl]], bbuf, sb)

    def wait(abuf, bbuf, sa, sb):
        pltpu.make_async_copy(z_hbm.at[ridx.at[pl.ds(0, CHUNK)]], abuf, sa).wait()
        pltpu.make_async_copy(z_hbm.at[cidx.at[pl.ds(0, CHUNK)]], bbuf, sb).wait()

    def compute(ci, abuf, bbuf):
        def group_body(g, carry):
            base_e = g * 16
            out_off = ci * CHUNK + base_e
            @plsc.parallel_loop(0, 16, 1, unroll=3)
            def _edge_body(e):
                row = base_e + e
                acc = (abuf[row, pl.ds(0, 16)] * bbuf[row, pl.ds(0, 16)])
                for k in range(1, D_FEAT // 16):
                    acc = acc + (abuf[row, pl.ds(k * 16, 16)]
                                 * bbuf[row, pl.ds(k * 16, 16)])
                plsc.store_scatter(tbuf, [lanes + e * 17], acc)
            dot = plsc.load_gather(tbuf, [col_idx[0]])
            for j in range(1, 16):
                dot = dot + plsc.load_gather(tbuf, [col_idx[j]])
            obuf[pl.ds(out_off, 16)] = 1.0 / (1.0 + jnp.exp(-dot))
            return carry
        lax.fori_loop(0, GROUPS, group_body, 0)

    gather(0, a0, b0, sem_a0, sem_b0)

    def pair_body(i, carry):
        c0 = 2 * i
        gather(c0 + 1, a1, b1, sem_a1, sem_b1)
        wait(a0, b0, sem_a0, sem_b0)
        compute(c0, a0, b0)
        gather(c0 + 2, a0, b0, sem_a0, sem_b0)
        wait(a1, b1, sem_a1, sem_b1)
        compute(c0 + 1, a1, b1)
        return carry

    lax.fori_loop(0, (NCHUNK - 1) // 2, pair_body, 0)
    wait(a0, b0, sem_a0, sem_b0)
    compute(NCHUNK - 1, a0, b0)

    pltpu.sync_copy(obuf, out_hbm.at[pl.ds(base, E_PER_W)])


def kernel(z, edge_index):
    edge_index = edge_index.astype(jnp.int32)
    probs = _decode_probs(z, edge_index[0], edge_index[1])
    labels = jnp.ones((N_EDGES,), dtype=jnp.float32)
    return probs, labels

# --- scband reference (transcript-rebuilt; emitter-appended) ---
"""Pipeline reference for scband-negative-sampling-decoder-79422535237676 (READ-ONLY COPY).

The authoritative reference and input builder live on the scoring server;
editing this copy changes nothing except your own understanding.
"""

import jax, jax.numpy as jnp
import numpy as np

N_NODES = 10000
N_EDGES = 320000
D_FEAT = 128

def setup_inputs(seed: int = 0) -> dict:
    key = jax.random.key(seed)
    k1, k2, k3 = jax.random.split(key, 3)
    z = jax.random.normal(k1, (N_NODES, D_FEAT), dtype=jnp.float32)
    row = jax.random.randint(k2, (N_EDGES,), 0, N_NODES)
    col = jax.random.randint(k3, (N_EDGES,), 0, N_NODES)
    edge_index = jnp.stack([row, col], axis=0)
    return {"z": z, "edge_index": edge_index}

def reference(z, edge_index):
    # Eval-mode forward (module.eval()): dropout is identity and no negative
    # samples are drawn (neg_logits is empty, n_neg effectively 0).
    row_pos = edge_index[0]
    col_pos = edge_index[1]
    # gather node embeddings for both endpoints, elementwise product, row-sum
    pos_logits = jnp.sum(jnp.take(z, row_pos, axis=0) * jnp.take(z, col_pos, axis=0), axis=1)
    all_logits = pos_logits  # cat with empty neg_logits
    all_probs = jax.nn.sigmoid(all_logits)
    n_edges = edge_index.shape[1]
    pos_labels = jnp.ones((n_edges,), dtype=jnp.float32)
    all_labels = pos_labels  # cat with zeros(0)
    return (all_probs, all_labels)

if __name__ == "__main__":
    import jax
    _d = setup_inputs()
    print(jax.jit(kernel)(*tuple(_d.values())))

</pallas_src>

<mosaic_0001>
#map = affine_map<(d0, d1) -> (0, 0)>
#map1 = affine_map<(d0, d1) -> (0)>
module attributes {stable_mosaic.version = 14 : i64} {
  func.func @_decode_probs(%arg0: i32, %arg1: i32, %arg2: memref<10000x128xf32, #tpu.memory_space<hbm>>, %arg3: memref<320000xi32, #tpu.memory_space<hbm>>, %arg4: memref<320000xi32, #tpu.memory_space<hbm>>, %arg5: memref<320000xf32, #tpu.memory_space<hbm>>, %arg6: memref<10000xi32, #tpu.memory_space<vmem>>, %arg7: memref<10000xi32, #tpu.memory_space<vmem>>, %arg8: memref<80x128xf32, #tpu.memory_space<vmem>>, %arg9: memref<80x128xf32, #tpu.memory_space<vmem>>, %arg10: memref<80x128xf32, #tpu.memory_space<vmem>>, %arg11: memref<80x128xf32, #tpu.memory_space<vmem>>, %arg12: memref<10000xf32, #tpu.memory_space<vmem>>, %arg13: memref<272xf32, #tpu.memory_space<vmem>>, %arg14: memref<!tpu.dma_semaphore, #tpu.memory_space<semaphore_mem>>, %arg15: memref<!tpu.dma_semaphore, #tpu.memory_space<semaphore_mem>>, %arg16: memref<!tpu.dma_semaphore, #tpu.memory_space<semaphore_mem>>, %arg17: memref<!tpu.dma_semaphore, #tpu.memory_space<semaphore_mem>>) attributes {dimension_semantics = [#tpu.dimension_semantics<core_parallel>, #tpu.dimension_semantics<subcore_parallel>], iteration_bounds = array<i64: 2, 16>, scalar_prefetch = 0 : i64, scratch_operands = 12 : i64, tpu.core_type = #tpu.core_type<sc_vector_subcore>, window_params = [{transform_indices = #map}, {transform_indices = #map1}, {transform_indices = #map1}, {transform_indices = #map1}]} {
    %mul3A = arith.constant 2 : i32
    %mul3A_0 = arith.muli %arg1, %mul3A : i32
    %add3A = arith.addi %mul3A_0, %arg0 : i32
    %mul3A_1 = arith.constant 10000 : i32
    %mul3A_2 = arith.muli %add3A, %mul3A_1 : i32
    %iota3A = tpu.iota {dimensions = array<i32: 0>} : vector<16xi32>
    %mul3A_3 = arith.constant 17 : i32
    %mul3A_4 = vector.broadcast %mul3A_3 : i32 to vector<16xi32>
    %mul3A_5 = arith.muli %iota3A, %mul3A_4 : vector<16xi32>
    %add3A_6 = arith.constant 0 : i32
    %add3A_7 = vector.broadcast %add3A_6 : i32 to vector<16xi32>
    %add3A_8 = arith.addi %mul3A_5, %add3A_7 : vector<16xi32>
    %mul3A_9 = arith.constant 17 : i32
    %mul3A_10 = vector.broadcast %mul3A_9 : i32 to vector<16xi32>
    %mul3A_11 = arith.muli %iota3A, %mul3A_10 : vector<16xi32>
    %add3A_12 = arith.constant 1 : i32
    %add3A_13 = vector.broadcast %add3A_12 : i32 to vector<16xi32>
    %add3A_14 = arith.addi %mul3A_11, %add3A_13 : vector<16xi32>
    %mul3A_15 = arith.constant 17 : i32
    %mul3A_16 = vector.broadcast %mul3A_15 : i32 to vector<16xi32>
    %mul3A_17 = arith.muli %iota3A, %mul3A_16 : vector<16xi32>
    %add3A_18 = arith.constant 2 : i32
    %add3A_19 = vector.broadcast %add3A_18 : i32 to vector<16xi32>
    %add3A_20 = arith.addi %mul3A_17, %add3A_19 : vector<16xi32>
    %mul3A_21 = arith.constant 17 : i32
    %mul3A_22 = vector.broadcast %mul3A_21 : i32 to vector<16xi32>
    %mul3A_23 = arith.muli %iota3A, %mul3A_22 : vector<16xi32>
    %add3A_24 = arith.constant 3 : i32
    %add3A_25 = vector.broadcast %add3A_24 : i32 to vector<16xi32>
    %add3A_26 = arith.addi %mul3A_23, %add3A_25 : vector<16xi32>
    %mul3A_27 = arith.constant 17 : i32
    %mul3A_28 = vector.broadcast %mul3A_27 : i32 to vector<16xi32>
    %mul3A_29 = arith.muli %iota3A, %mul3A_28 : vector<16xi32>
    %add3A_30 = arith.constant 4 : i32
    %add3A_31 = vector.broadcast %add3A_30 : i32 to vector<16xi32>
    %add3A_32 = arith.addi %mul3A_29, %add3A_31 : vector<16xi32>
    %mul3A_33 = arith.constant 17 : i32
    %mul3A_34 = vector.broadcast %mul3A_33 : i32 to vector<16xi32>
    %mul3A_35 = arith.muli %iota3A, %mul3A_34 : vector<16xi32>
    %add3A_36 = arith.constant 5 : i32
    %add3A_37 = vector.broadcast %add3A_36 : i32 to vector<16xi32>
    %add3A_38 = arith.addi %mul3A_35, %add3A_37 : vector<16xi32>
    %mul3A_39 = arith.constant 17 : i32
    %mul3A_40 = vector.broadcast %mul3A_39 : i32 to vector<16xi32>
    %mul3A_41 = arith.muli %iota3A, %mul3A_40 : vector<16xi32>
    %add3A_42 = arith.constant 6 : i32
    %add3A_43 = vector.broadcast %add3A_42 : i32 to vector<16xi32>
    %add3A_44 = arith.addi %mul3A_41, %add3A_43 : vector<16xi32>
    %mul3A_45 = arith.constant 17 : i32
    %mul3A_46 = vector.broadcast %mul3A_45 : i32 to vector<16xi32>
    %mul3A_47 = arith.muli %iota3A, %mul3A_46 : vector<16xi32>
    %add3A_48 = arith.constant 7 : i32
    %add3A_49 = vector.broadcast %add3A_48 : i32 to vector<16xi32>
    %add3A_50 = arith.addi %mul3A_47, %add3A_49 : vector<16xi32>
    %mul3A_51 = arith.constant 17 : i32
    %mul3A_52 = vector.broadcast %mul3A_51 : i32 to vector<16xi32>
    %mul3A_53 = arith.muli %iota3A, %mul3A_52 : vector<16xi32>
    %add3A_54 = arith.constant 8 : i32
    %add3A_55 = vector.broadcast %add3A_54 : i32 to vector<16xi32>
    %add3A_56 = arith.addi %mul3A_53, %add3A_55 : vector<16xi32>
    %mul3A_57 = arith.constant 17 : i32
    %mul3A_58 = vector.broadcast %mul3A_57 : i32 to vector<16xi32>
    %mul3A_59 = arith.muli %iota3A, %mul3A_58 : vector<16xi32>
    %add3A_60 = arith.constant 9 : i32
    %add3A_61 = vector.broadcast %add3A_60 : i32 to vector<16xi32>
    %add3A_62 = arith.addi %mul3A_59, %add3A_61 : vector<16xi32>
    %mul3A_63 = arith.constant 17 : i32
    %mul3A_64 = vector.broadcast %mul3A_63 : i32 to vector<16xi32>
    %mul3A_65 = arith.muli %iota3A, %mul3A_64 : vector<16xi32>
    %add3A_66 = arith.constant 10 : i32
    %add3A_67 = vector.broadcast %add3A_66 : i32 to vector<16xi32>
    %add3A_68 = arith.addi %mul3A_65, %add3A_67 : vector<16xi32>
    %mul3A_69 = arith.constant 17 : i32
    %mul3A_70 = vector.broadcast %mul3A_69 : i32 to vector<16xi32>
    %mul3A_71 = arith.muli %iota3A, %mul3A_70 : vector<16xi32>
    %add3A_72 = arith.constant 11 : i32
    %add3A_73 = vector.broadcast %add3A_72 : i32 to vector<16xi32>
    %add3A_74 = arith.addi %mul3A_71, %add3A_73 : vector<16xi32>
    %mul3A_75 = arith.constant 17 : i32
    %mul3A_76 = vector.broadcast %mul3A_75 : i32 to vector<16xi32>
    %mul3A_77 = arith.muli %iota3A, %mul3A_76 : vector<16xi32>
    %add3A_78 = arith.constant 12 : i32
    %add3A_79 = vector.broadcast %add3A_78 : i32 to vector<16xi32>
    %add3A_80 = arith.addi %mul3A_77, %add3A_79 : vector<16xi32>
    %mul3A_81 = arith.constant 17 : i32
    %mul3A_82 = vector.broadcast %mul3A_81 : i32 to vector<16xi32>
    %mul3A_83 = arith.muli %iota3A, %mul3A_82 : vector<16xi32>
    %add3A_84 = arith.constant 13 : i32
    %add3A_85 = vector.broadcast %add3A_84 : i32 to vector<16xi32>
    %add3A_86 = arith.addi %mul3A_83, %add3A_85 : vector<16xi32>
    %mul3A_87 = arith.constant 17 : i32
    %mul3A_88 = vector.broadcast %mul3A_87 : i32 to vector<16xi32>
    %mul3A_89 = arith.muli %iota3A, %mul3A_88 : vector<16xi32>
    %add3A_90 = arith.constant 14 : i32
    %add3A_91 = vector.broadcast %add3A_90 : i32 to vector<16xi32>
    %add3A_92 = arith.addi %mul3A_89, %add3A_91 : vector<16xi32>
    %mul3A_93 = arith.constant 17 : i32
    %mul3A_94 = vector.broadcast %mul3A_93 : i32 to vector<16xi32>
    %mul3A_95 = arith.muli %iota3A, %mul3A_94 : vector<16xi32>
    %add3A_96 = arith.constant 15 : i32
    %add3A_97 = vector.broadcast %add3A_96 : i32 to vector<16xi32>
    %add3A_98 = arith.addi %mul3A_95, %add3A_97 : vector<16xi32>
    "tpu.region"() ({
      %run_scoped3A = tpu.sem_alloc : memref<!tpu.dma_semaphore, #tpu.memory_space<semaphore_mem>>
      %dma_start3A_128 = tpu.memref_slice %arg3[%mul3A_2] : memref<320000xi32, #tpu.memory_space<hbm>> -> memref<10000xi32, #tpu.memory_space<hbm>>
      %dma_start3A_129 = tpu.memref_slice %arg3[%mul3A_2] : memref<320000xi32, #tpu.memory_space<hbm>> -> memref<10000xi32, #tpu.memory_space<hbm>>
      tpu.enqueue_dma source(%dma_start3A_129 : memref<10000xi32, #tpu.memory_space<hbm>>) target(%arg6 : memref<10000xi32, #tpu.memory_space<vmem>>) target_semaphore(%run_scoped3A : memref<!tpu.dma_semaphore, #tpu.memory_space<semaphore_mem>>)
      %dma_wait3A_130 = tpu.memref_slice %arg3[%mul3A_2] : memref<320000xi32, #tpu.memory_space<hbm>> -> memref<10000xi32, #tpu.memory_space<hbm>>
      %dma_wait3A_131 = tpu.memref_slice %arg3[%mul3A_2] : memref<320000xi32, #tpu.memory_space<hbm>> -> memref<10000xi32, #tpu.memory_space<hbm>>
      tpu.wait_dma2 semaphore(%run_scoped3A : memref<!tpu.dma_semaphore, #tpu.memory_space<semaphore_mem>>) src(%dma_wait3A_131 : memref<10000xi32, #tpu.memory_space<hbm>>) dst(%arg6 : memref<10000xi32, #tpu.memory_space<vmem>>)
      tpu.yield
    }) : () -> ()
    "tpu.region"() ({
      %run_scoped3A = tpu.sem_alloc : memref<!tpu.dma_semaphore, #tpu.memory_space<semaphore_mem>>
      %dma_start3A_128 = tpu.memref_slice %arg4[%mul3A_2] : memref<320000xi32, #tpu.memory_space<hbm>> -> memref<10000xi32, #tpu.memory_space<hbm>>
      %dma_start3A_129 = tpu.memref_slice %arg4[%mul3A_2] : memref<320000xi32, #tpu.memory_space<hbm>> -> memref<10000xi32, #tpu.memory_space<hbm>>
      tpu.enqueue_dma source(%dma_start3A_129 : memref<10000xi32, #tpu.memory_space<hbm>>) target(%arg7 : memref<10000xi32, #tpu.memory_space<vmem>>) target_semaphore(%run_scoped3A : memref<!tpu.dma_semaphore, #tpu.memory_space<semaphore_mem>>)
      %dma_wait3A_130 = tpu.memref_slice %arg4[%mul3A_2] : memref<320000xi32, #tpu.memory_space<hbm>> -> memref<10000xi32, #tpu.memory_space<hbm>>
      %dma_wait3A_131 = tpu.memref_slice %arg4[%mul3A_2] : memref<320000xi32, #tpu.memory_space<hbm>> -> memref<10000xi32, #tpu.memory_space<hbm>>
      tpu.wait_dma2 semaphore(%run_scoped3A : memref<!tpu.dma_semaphore, #tpu.memory_space<semaphore_mem>>) src(%dma_wait3A_131 : memref<10000xi32, #tpu.memory_space<hbm>>) dst(%arg7 : memref<10000xi32, #tpu.memory_space<vmem>>)
      tpu.yield
    }) : () -> ()
    %dma_start3A = arith.constant 0 : i32
    %dma_start3A_99 = tpu.memref_slice %arg6[%dma_start3A] : memref<10000xi32, #tpu.memory_space<vmem>> -> memref<80xi32, #tpu.memory_space<vmem>>
    %dma_start3A_100 = arith.constant 0 : i32
    %dma_start3A_101 = arith.constant 0 : i32
    %dma_start3A_102 = tpu.memref_slice %arg2[%dma_start3A_100, %dma_start3A_101] : memref<10000x128xf32, #tpu.memory_space<hbm>> -> memref<10000x128xf32, #tpu.memory_space<hbm>>
    tpu.enqueue_indirect_dma source(%dma_start3A_102 : memref<10000x128xf32, #tpu.memory_space<hbm>>) target(%arg8 : memref<80x128xf32, #tpu.memory_space<vmem>>) offsets(%dma_start3A_99 : memref<80xi32, #tpu.memory_space<vmem>>) semaphore(%arg14 : memref<!tpu.dma_semaphore, #tpu.memory_space<semaphore_mem>>)
    %dma_start3A_103 = arith.constant 0 : i32
    %dma_start3A_104 = tpu.memref_slice %arg7[%dma_start3A_103] : memref<10000xi32, #tpu.memory_space<vmem>> -> memref<80xi32, #tpu.memory_space<vmem>>
    %dma_start3A_105 = arith.constant 0 : i32
    %dma_start3A_106 = arith.constant 0 : i32
    %dma_start3A_107 = tpu.memref_slice %arg2[%dma_start3A_105, %dma_start3A_106] : memref<10000x128xf32, #tpu.memory_space<hbm>> -> memref<10000x128xf32, #tpu.memory_space<hbm>>
    tpu.enqueue_indirect_dma source(%dma_start3A_107 : memref<10000x128xf32, #tpu.memory_space<hbm>>) target(%arg9 : memref<80x128xf32, #tpu.memory_space<vmem>>) offsets(%dma_start3A_104 : memref<80xi32, #tpu.memory_space<vmem>>) semaphore(%arg15 : memref<!tpu.dma_semaphore, #tpu.memory_space<semaphore_mem>>)
    %scan3A = arith.constant 0 : i32
    %scan3A_108 = arith.constant 0 : i32
    %scan3A_109 = arith.constant 62 : i32
    %scan3A_110 = arith.addi %scan3A_108, %scan3A_109 : i32
    %scan3A_111 = arith.constant 1 : i32
    scf.for %scan3A_128 = %scan3A_108 to %scan3A_110 step %scan3A_111  : i32 {
      %mul3A_129 = arith.constant 2 : i32
      %mul3A_130 = arith.muli %mul3A_129, %scan3A_128 : i32
      %add3A_131 = arith.constant 1 : i32
      %add3A_132 = arith.addi %mul3A_130, %add3A_131 : i32
      %mul3A_133 = arith.constant 80 : i32
      %mul3A_134 = arith.muli %add3A_132, %mul3A_133 : i32
      %dma_start3A_135 = tpu.memref_slice %arg6[%mul3A_134] : memref<10000xi32, #tpu.memory_space<vmem>> -> memref<80xi32, #tpu.memory_space<vmem>>
      %dma_start3A_136 = arith.constant 0 : i32
      %dma_start3A_137 = arith.constant 0 : i32
      %dma_start3A_138 = tpu.memref_slice %arg2[%dma_start3A_136, %dma_start3A_137] : memref<10000x128xf32, #tpu.memory_space<hbm>> -> memref<10000x128xf32, #tpu.memory_space<hbm>>
      tpu.enqueue_indirect_dma source(%dma_start3A_138 : memref<10000x128xf32, #tpu.memory_space<hbm>>) target(%arg10 : memref<80x128xf32, #tpu.memory_space<vmem>>) offsets(%dma_start3A_135 : memref<80xi32, #tpu.memory_space<vmem>>) semaphore(%arg16 : memref<!tpu.dma_semaphore, #tpu.memory_space<semaphore_mem>>)
      %dma_start3A_139 = tpu.memref_slice %arg7[%mul3A_134] : memref<10000xi32, #tpu.memory_space<vmem>> -> memref<80xi32, #tpu.memory_space<vmem>>
      %dma_start3A_140 = arith.constant 0 : i32
      %dma_start3A_141 = arith.constant 0 : i32
      %dma_start3A_142 = tpu.memref_slice %arg2[%dma_start3A_140, %dma_start3A_141] : memref<10000x128xf32, #tpu.memory_space<hbm>> -> memref<10000x128xf32, #tpu.memory_space<hbm>>
      tpu.enqueue_indirect_dma source(%dma_start3A_142 : memref<10000x128xf32, #tpu.memory_space<hbm>>) target(%arg11 : memref<80x128xf32, #tpu.memory_space<vmem>>) offsets(%dma_start3A_139 : memref<80xi32, #tpu.memory_space<vmem>>) semaphore(%arg17 : memref<!tpu.dma_semaphore, #tpu.memory_space<semaphore_mem>>)
      %dma_wait3A_143 = arith.constant 0 : i32
      %dma_wait3A_144 = tpu.memref_slice %arg6[%dma_wait3A_143] : memref<10000xi32, #tpu.memory_space<vmem>> -> memref<80xi32, #tpu.memory_space<vmem>>
      %dma_wait3A_145 = arith.constant 0 : i32
      %dma_wait3A_146 = arith.constant 0 : i32
      %dma_wait3A_147 = tpu.memref_slice %arg2[%dma_wait3A_145, %dma_wait3A_146] : memref<10000x128xf32, #tpu.memory_space<hbm>> -> memref<10000x128xf32, #tpu.memory_space<hbm>>
      tpu.wait_indirect_dma semaphore(%arg14 : memref<!tpu.dma_semaphore, #tpu.memory_space<semaphore_mem>>) src(%dma_wait3A_147 : memref<10000x128xf32, #tpu.memory_space<hbm>>) dst(%arg8 : memref<80x128xf32, #tpu.memory_space<vmem>>)
      %dma_wait3A_148 = arith.constant 0 : i32
      %dma_wait3A_149 = tpu.memref_slice %arg7[%dma_wait3A_148] : memref<10000xi32, #tpu.memory_space<vmem>> -> memref<80xi32, #tpu.memory_space<vmem>>
      %dma_wait3A_150 = arith.constant 0 : i32
      %dma_wait3A_151 = arith.constant 0 : i32
      %dma_wait3A_152 = tpu.memref_slice %arg2[%dma_wait3A_150, %dma_wait3A_151] : memref<10000x128xf32, #tpu.memory_space<hbm>> -> memref<10000x128xf32, #tpu.memory_space<hbm>>
      tpu.wait_indirect_dma semaphore(%arg15 : memref<!tpu.dma_semaphore, #tpu.memory_space<semaphore_mem>>) src(%dma_wait3A_152 : memref<10000x128xf32, #tpu.memory_space<hbm>>) dst(%arg9 : memref<80x128xf32, #tpu.memory_space<vmem>>)
      %scan3A_153 = arith.constant 0 : i32
      %scan3A_154 = arith.constant 0 : i32
      %scan3A_155 = arith.constant 5 : i32
      %scan3A_156 = arith.addi %scan3A_154, %scan3A_155 : i32
      %scan3A_157 = arith.constant 1 : i32
      scf.for %scan3A_189 = %scan3A_154 to %scan3A_156 step %scan3A_157  : i32 {
        %mul3A_190 = arith.constant 16 : i32
        %mul3A_191 = arith.muli %scan3A_189, %mul3A_190 : i32
        %mul3A_192 = arith.constant 80 : i32
        %mul3A_193 = arith.muli %mul3A_130, %mul3A_192 : i32
        %add3A_194 = arith.addi %mul3A_193, %mul3A_191 : i32
        %parallel_loop3A = arith.constant 0 : i32
        %parallel_loop3A_195 = arith.constant 16 : i32
        %parallel_loop3A_196 = arith.constant 1 : i32
        scf.for %parallel_loop3A_235 = %parallel_loop3A to %parallel_loop3A_195 step %parallel_loop3A_196  : i32 {
          %parallel_loop3A_236 = arith.addi %mul3A_191, %parallel_loop3A_235 : i32
          %parallel_loop3A_237 = arith.index_cast %parallel_loop3A_236 : i32 to index
          %parallel_loop3A_238 = arith.constant 0 : index
          %parallel_loop3A_239 = tpu.vector_load %arg8[%parallel_loop3A_237, %parallel_loop3A_238] {strides = array<i32>} : memref<80x128xf32, #tpu.memory_space<vmem>>, vector<16xf32>,
          %parallel_loop3A_240 = arith.index_cast %parallel_loop3A_236 : i32 to index
          %parallel_loop3A_241 = arith.constant 0 : index
          %parallel_loop3A_242 = tpu.vector_load %arg9[%parallel_loop3A_240, %parallel_loop3A_241] {strides = array<i32>} : memref<80x128xf32, #tpu.memory_space<vmem>>, vector<16xf32>,
          %parallel_loop3A_243 = arith.mulf %parallel_loop3A_239, %parallel_loop3A_242 : vector<16xf32>
          %parallel_loop3A_244 = arith.index_cast %parallel_loop3A_236 : i32 to index
          %parallel_loop3A_245 = arith.constant 16 : index
          %parallel_loop3A_246 = tpu.vector_load %arg8[%parallel_loop3A_244, %parallel_loop3A_245] {strides = array<i32>} : memref<80x128xf32, #tpu.memory_space<vmem>>, vector<16xf32>,
          %parallel_loop3A_247 = arith.index_cast %parallel_loop3A_236 : i32 to index
          %parallel_loop3A_248 = arith.constant 16 : index
          %parallel_loop3A_249 = tpu.vector_load %arg9[%parallel_loop3A_247, %parallel_loop3A_248] {strides = array<i32>} : memref<80x128xf32, #tpu.memory_space<vmem>>, vector<16xf32>,
          %parallel_loop3A_250 = arith.mulf %parallel_loop3A_246, %parallel_loop3A_249 : vector<16xf32>
          %parallel_loop3A_251 = arith.addf %parallel_loop3A_243, %parallel_loop3A_250 : vector<16xf32>
          %parallel_loop3A_252 = arith.index_cast %parallel_loop3A_236 : i32 to index
          %parallel_loop3A_253 = arith.constant 32 : index
          %parallel_loop3A_254 = tpu.vector_load %arg8[%parallel_loop3A_252, %parallel_loop3A_253] {strides = array<i32>} : memref<80x128xf32, #tpu.memory_space<vmem>>, vector<16xf32>,
          %parallel_loop3A_255 = arith.index_cast %parallel_loop3A_236 : i32 to index
          %parallel_loop3A_256 = arith.constant 32 : index
          %parallel_loop3A_257 = tpu.vector_load %arg9[%parallel_loop3A_255, %parallel_loop3A_256] {strides = array<i32>} : memref<80x128xf32, #tpu.memory_space<vmem>>, vector<16xf32>,
          %parallel_loop3A_258 = arith.mulf %parallel_loop3A_254, %parallel_loop3A_257 : vector<16xf32>
          %parallel_loop3A_259 = arith.addf %parallel_loop3A_251, %parallel_loop3A_258 : vector<16xf32>
          %parallel_loop3A_260 = arith.index_cast %parallel_loop3A_236 : i32 to index
          %parallel_loop3A_261 = arith.constant 48 : index
          %parallel_loop3A_262 = tpu.vector_load %arg8[%parallel_loop3A_260, %parallel_loop3A_261] {strides = array<i32>} : memref<80x128xf32, #tpu.memory_space<vmem>>, vector<16xf32>,
          %parallel_loop3A_263 = arith.index_cast %parallel_loop3A_236 : i32 to index
          %parallel_loop3A_264 = arith.constant 48 : index
          %parallel_loop3A_265 = tpu.vector_load %arg9[%parallel_loop3A_263, %parallel_loop3A_264] {strides = array<i32>} : memref<80x128xf32, #tpu.memory_space<vmem>>, vector<16xf32>,
          %parallel_loop3A_266 = arith.mulf %parallel_loop3A_262, %parallel_loop3A_265 : vector<16xf32>
          %parallel_loop3A_267 = arith.addf %parallel_loop3A_259, %parallel_loop3A_266 : vector<16xf32>
          %parallel_loop3A_268 = arith.index_cast %parallel_loop3A_236 : i32 to index
          %parallel_loop3A_269 = arith.constant 64 : index
          %parallel_loop3A_270 = tpu.vector_load %arg8[%parallel_loop3A_268, %parallel_loop3A_269] {strides = array<i32>} : memref<80x128xf32, #tpu.memory_space<vmem>>, vector<16xf32>,
          %parallel_loop3A_271 = arith.index_cast %parallel_loop3A_236 : i32 to index
          %parallel_loop3A_272 = arith.constant 64 : index
          %parallel_loop3A_273 = tpu.vector_load %arg9[%parallel_loop3A_271, %parallel_loop3A_272] {strides = array<i32>} : memref<80x128xf32, #tpu.memory_space<vmem>>, vector<16xf32>,
          %parallel_loop3A_274 = arith.mulf %parallel_loop3A_270, %parallel_loop3A_273 : vector<16xf32>
          %parallel_loop3A_275 = arith.addf %parallel_loop3A_267, %parallel_loop3A_274 : vector<16xf32>
          %parallel_loop3A_276 = arith.index_cast %parallel_loop3A_236 : i32 to index
          %parallel_loop3A_277 = arith.constant 80 : index
          %parallel_loop3A_278 = tpu.vector_load %arg8[%parallel_loop3A_276, %parallel_loop3A_277] {strides = array<i32>} : memref<80x128xf32, #tpu.memory_space<vmem>>, vector<16xf32>,
          %parallel_loop3A_279 = arith.index_cast %parallel_loop3A_236 : i32 to index
          %parallel_loop3A_280 = arith.constant 80 : index
          %parallel_loop3A_281 = tpu.vector_load %arg9[%parallel_loop3A_279, %parallel_loop3A_280] {strides = array<i32>} : memref<80x128xf32, #tpu.memory_space<vmem>>, vector<16xf32>,
          %parallel_loop3A_282 = arith.mulf %parallel_loop3A_278, %parallel_loop3A_281 : vector<16xf32>
          %parallel_loop3A_283 = arith.addf %parallel_loop3A_275, %parallel_loop3A_282 : vector<16xf32>
          %parallel_loop3A_284 = arith.index_cast %parallel_loop3A_236 : i32 to index
          %parallel_loop3A_285 = arith.constant 96 : index
          %parallel_loop3A_286 = tpu.vector_load %arg8[%parallel_loop3A_284, %parallel_loop3A_285] {strides = array<i32>} : memref<80x128xf32, #tpu.memory_space<vmem>>, vector<16xf32>,
          %parallel_loop3A_287 = arith.index_cast %parallel_loop3A_236 : i32 to index
          %parallel_loop3A_288 = arith.constant 96 : index
          %parallel_loop3A_289 = tpu.vector_load %arg9[%parallel_loop3A_287, %parallel_loop3A_288] {strides = array<i32>} : memref<80x128xf32, #tpu.memory_space<vmem>>, vector<16xf32>,
          %parallel_loop3A_290 = arith.mulf %parallel_loop3A_286, %parallel_loop3A_289 : vector<16xf32>
          %parallel_loop3A_291 = arith.addf %parallel_loop3A_283, %parallel_loop3A_290 : vector<16xf32>
          %parallel_loop3A_292 = arith.index_cast %parallel_loop3A_236 : i32 to index
          %parallel_loop3A_293 = arith.constant 112 : index
          %parallel_loop3A_294 = tpu.vector_load %arg8[%parallel_loop3A_292, %parallel_loop3A_293] {strides = array<i32>} : memref<80x128xf32, #tpu.memory_space<vmem>>, vector<16xf32>,
          %parallel_loop3A_295 = arith.index_cast %parallel_loop3A_236 : i32 to index
          %parallel_loop3A_296 = arith.constant 112 : index
          %parallel_loop3A_297 = tpu.vector_load %arg9[%parallel_loop3A_295, %parallel_loop3A_296] {strides = array<i32>} : memref<80x128xf32, #tpu.memory_space<vmem>>, vector<16xf32>,
          %parallel_loop3A_298 = arith.mulf %parallel_loop3A_294, %parallel_loop3A_297 : vector<16xf32>
          %parallel_loop3A_299 = arith.addf %parallel_loop3A_291, %parallel_loop3A_298 : vector<16xf32>
          %parallel_loop3A_300 = arith.constant 17 : i32
          %parallel_loop3A_301 = arith.muli %parallel_loop3A_235, %parallel_loop3A_300 : i32
          %parallel_loop3A_302 = vector.broadcast %parallel_loop3A_301 : i32 to vector<16xi32>
          %parallel_loop3A_303 = arith.addi %iota3A, %parallel_loop3A_302 : vector<16xi32>
          tpu.vector_store_idx %arg13[%parallel_loop3A_303], %parallel_loop3A_299 : memref<272xf32, #tpu.memory_space<vmem>>[vector<16xi32>], vector<16xf32>,
        } {sc.loop_unroll_factor = 3 : i64, sc.parallel_access}
        %gather3A = tpu.vector_load_idx %arg13[%add3A_8] : memref<272xf32, #tpu.memory_space<vmem>>[vector<16xi32>], vector<16xf32>,
        %gather3A_197 = tpu.vector_load_idx %arg13[%add3A_14] : memref<272xf32, #tpu.memory_space<vmem>>[vector<16xi32>], vector<16xf32>,
        %add3A_198 = arith.addf %gather3A, %gather3A_197 : vector<16xf32>
        %gather3A_199 = tpu.vector_load_idx %arg13[%add3A_20] : memref<272xf32, #tpu.memory_space<vmem>>[vector<16xi32>], vector<16xf32>,
        %add3A_200 = arith.addf %add3A_198, %gather3A_199 : vector<16xf32>
        %gather3A_201 = tpu.vector_load_idx %arg13[%add3A_26] : memref<272xf32, #tpu.memory_space<vmem>>[vector<16xi32>], vector<16xf32>,
        %add3A_202 = arith.addf %add3A_200, %gather3A_201 : vector<16xf32>
        %gather3A_203 = tpu.vector_load_idx %arg13[%add3A_32] : memref<272xf32, #tpu.memory_space<vmem>>[vector<16xi32>], vector<16xf32>,
        %add3A_204 = arith.addf %add3A_202, %gather3A_203 : vector<16xf32>
        %gather3A_205 = tpu.vector_load_idx %arg13[%add3A_38] : memref<272xf32, #tpu.memory_space<vmem>>[vector<16xi32>], vector<16xf32>,
        %add3A_206 = arith.addf %add3A_204, %gather3A_205 : vector<16xf32>
        %gather3A_207 = tpu.vector_load_idx %arg13[%add3A_44] : memref<272xf32, #tpu.memory_space<vmem>>[vector<16xi32>], vector<16xf32>,
        %add3A_208 = arith.addf %add3A_206, %gather3A_207 : vector<16xf32>
        %gather3A_209 = tpu.vector_load_idx %arg13[%add3A_50] : memref<272xf32, #tpu.memory_space<vmem>>[vector<16xi32>], vector<16xf32>,
        %add3A_210 = arith.addf %add3A_208, %gather3A_209 : vector<16xf32>
        %gather3A_211 = tpu.vector_load_idx %arg13[%add3A_56] : memref<272xf32, #tpu.memory_space<vmem>>[vector<16xi32>], vector<16xf32>,
        %add3A_212 = arith.addf %add3A_210, %gather3A_211 : vector<16xf32>
        %gather3A_213 = tpu.vector_load_idx %arg13[%add3A_62] : memref<272xf32, #tpu.memory_space<vmem>>[vector<16xi32>], vector<16xf32>,
        %add3A_214 = arith.addf %add3A_212, %gather3A_213 : vector<16xf32>
        %gather3A_215 = tpu.vector_load_idx %arg13[%add3A_68] : memref<272xf32, #tpu.memory_space<vmem>>[vector<16xi32>], vector<16xf32>,
        %add3A_216 = arith.addf %add3A_214, %gather3A_215 : vector<16xf32>
        %gather3A_217 = tpu.vector_load_idx %arg13[%add3A_74] : memref<272xf32, #tpu.memory_space<vmem>>[vector<16xi32>], vector<16xf32>,
        %add3A_218 = arith.addf %add3A_216, %gather3A_217 : vector<16xf32>
        %gather3A_219 = tpu.vector_load_idx %arg13[%add3A_80] : memref<272xf32, #tpu.memory_space<vmem>>[vector<16xi32>], vector<16xf32>,
        %add3A_220 = arith.addf %add3A_218, %gather3A_219 : vector<16xf32>
        %gather3A_221 = tpu.vector_load_idx %arg13[%add3A_86] : memref<272xf32, #tpu.memory_space<vmem>>[vector<16xi32>], vector<16xf32>,
        %add3A_222 = arith.addf %add3A_220, %gather3A_221 : vector<16xf32>
        %gather3A_223 = tpu.vector_load_idx %arg13[%add3A_92] : memref<272xf32, #tpu.memory_space<vmem>>[vector<16xi32>], vector<16xf32>,
        %add3A_224 = arith.addf %add3A_222, %gather3A_223 : vector<16xf32>
        %gather3A_225 = tpu.vector_load_idx %arg13[%add3A_98] : memref<272xf32, #tpu.memory_space<vmem>>[vector<16xi32>], vector<16xf32>,
        %add3A_226 = arith.addf %add3A_224, %gather3A_225 : vector<16xf32>
        %neg3A = arith.constant 0.000000e+00 : f32
        %neg3A_227 = vector.broadcast %neg3A : f32 to vector<16xf32>
        %neg3A_228 = arith.subf %neg3A_227, %add3A_226 : vector<16xf32>
        %exp3A = math.exp %neg3A_228 : vector<16xf32>
        %add3A_229 = arith.constant 1.000000e+00 : f32
        %add3A_230 = vector.broadcast %add3A_229 : f32 to vector<16xf32>
        %add3A_231 = arith.addf %add3A_230, %exp3A : vector<16xf32>
        %div3A = arith.constant 1.000000e+00 : f32
        %div3A_232 = vector.broadcast %div3A : f32 to vector<16xf32>
        %div3A_233 = arith.divf %div3A_232, %add3A_231 : vector<16xf32>
        %swap3A = arith.index_cast %add3A_194 : i32 to index
        %swap3A_234 = tpu.vector_load %arg12[%swap3A] {strides = array<i32>} : memref<10000xf32, #tpu.memory_space<vmem>>, vector<16xf32>,
        tpu.vector_store %arg12[%swap3A], %div3A_233 {strides = array<i32>} : memref<10000xf32, #tpu.memory_space<vmem>>, vector<16xf32>,
      }
      %scan3A_158 = arith.constant 5 : i32
      %add3A_159 = arith.constant 2 : i32
      %add3A_160 = arith.addi %mul3A_130, %add3A_159 : i32
      %mul3A_161 = arith.constant 80 : i32
      %mul3A_162 = arith.muli %add3A_160, %mul3A_161 : i32
      %dma_start3A_163 = tpu.memref_slice %arg6[%mul3A_162] : memref<10000xi32, #tpu.memory_space<vmem>> -> memref<80xi32, #tpu.memory_space<vmem>>
      %dma_start3A_164 = arith.constant 0 : i32
      %dma_start3A_165 = arith.constant 0 : i32
      %dma_start3A_166 = tpu.memref_slice %arg2[%dma_start3A_164, %dma_start3A_165] : memref<10000x128xf32, #tpu.memory_space<hbm>> -> memref<10000x128xf32, #tpu.memory_space<hbm>>
      tpu.enqueue_indirect_dma source(%dma_start3A_166 : memref<10000x128xf32, #tpu.memory_space<hbm>>) target(%arg8 : memref<80x128xf32, #tpu.memory_space<vmem>>) offsets(%dma_start3A_163 : memref<80xi32, #tpu.memory_space<vmem>>) semaphore(%arg14 : memref<!tpu.dma_semaphore, #tpu.memory_space<semaphore_mem>>)
      %dma_start3A_167 = tpu.memref_slice %arg7[%mul3A_162] : memref<10000xi32, #tpu.memory_space<vmem>> -> memref<80xi32, #tpu.memory_space<vmem>>
      %dma_start3A_168 = arith.constant 0 : i32
      %dma_start3A_169 = arith.constant 0 : i32
      %dma_start3A_170 = tpu.memref_slice %arg2[%dma_start3A_168, %dma_start3A_169] : memref<10000x128xf32, #tpu.memory_space<hbm>> -> memref<10000x128xf32, #tpu.memory_space<hbm>>
      tpu.enqueue_indirect_dma source(%dma_start3A_170 : memref<10000x128xf32, #tpu.memory_space<hbm>>) target(%arg9 : memref<80x128xf32, #tpu.memory_space<vmem>>) offsets(%dma_start3A_167 : memref<80xi32, #tpu.memory_space<vmem>>) semaphore(%arg15 : memref<!tpu.dma_semaphore, #tpu.memory_space<semaphore_mem>>)
      %dma_wait3A_171 = arith.constant 0 : i32
      %dma_wait3A_172 = tpu.memref_slice %arg6[%dma_wait3A_171] : memref<10000xi32, #tpu.memory_space<vmem>> -> memref<80xi32, #tpu.memory_space<vmem>>
      %dma_wait3A_173 = arith.constant 0 : i32
      %dma_wait3A_174 = arith.constant 0 : i32
      %dma_wait3A_175 = tpu.memref_slice %arg2[%dma_wait3A_173, %dma_wait3A_174] : memref<10000x128xf32, #tpu.memory_space<hbm>> -> memref<10000x128xf32, #tpu.memory_space<hbm>>
      tpu.wait_indirect_dma semaphore(%arg16 : memref<!tpu.dma_semaphore, #tpu.memory_space<semaphore_mem>>) src(%dma_wait3A_175 : memref<10000x128xf32, #tpu.memory_space<hbm>>) dst(%arg10 : memref<80x128xf32, #tpu.memory_space<vmem>>)
      %dma_wait3A_176 = arith.constant 0 : i32
      %dma_wait3A_177 = tpu.memref_slice %arg7[%dma_wait3A_176] : memref<10000xi32, #tpu.memory_space<vmem>> -> memref<80xi32, #tpu.memory_space<vmem>>
      %dma_wait3A_178 = arith.constant 0 : i32
      %dma_wait3A_179 = arith.constant 0 : i32
      %dma_wait3A_180 = tpu.memref_slice %arg2[%dma_wait3A_178, %dma_wait3A_179] : memref<10000x128xf32, #tpu.memory_space<hbm>> -> memref<10000x128xf32, #tpu.memory_space<hbm>>
      tpu.wait_indirect_dma semaphore(%arg17 : memref<!tpu.dma_semaphore, #tpu.memory_space<semaphore_mem>>) src(%dma_wait3A_180 : memref<10000x128xf32, #tpu.memory_space<hbm>>) dst(%arg11 : memref<80x128xf32, #tpu.memory_space<vmem>>)
      %add3A_181 = arith.constant 1 : i32
      %add3A_182 = arith.addi %mul3A_130, %add3A_181 : i32
      %scan3A_183 = arith.constant 0 : i32
      %scan3A_184 = arith.constant 0 : i32
      %scan3A_185 = arith.constant 5 : i32
      %scan3A_186 = arith.addi %scan3A_184, %scan3A_185 : i32
      %scan3A_187 = arith.constant 1 : i32
      scf.for %scan3A_189 = %scan3A_184 to %scan3A_186 step %scan3A_187  : i32 {
        %mul3A_190 = arith.constant 16 : i32
        %mul3A_191 = arith.muli %scan3A_189, %mul3A_190 : i32
        %mul3A_192 = arith.constant 80 : i32
        %mul3A_193 = arith.muli %add3A_182, %mul3A_192 : i32
        %add3A_194 = arith.addi %mul3A_193, %mul3A_191 : i32
        %parallel_loop3A = arith.constant 0 : i32
        %parallel_loop3A_195 = arith.constant 16 : i32
        %parallel_loop3A_196 = arith.constant 1 : i32
        scf.for %parallel_loop3A_235 = %parallel_loop3A to %parallel_loop3A_195 step %parallel_loop3A_196  : i32 {
          %parallel_loop3A_236 = arith.addi %mul3A_191, %parallel_loop3A_235 : i32
          %parallel_loop3A_237 = arith.index_cast %parallel_loop3A_236 : i32 to index
          %parallel_loop3A_238 = arith.constant 0 : index
          %parallel_loop3A_239 = tpu.vector_load %arg10[%parallel_loop3A_237, %parallel_loop3A_238] {strides = array<i32>} : memref<80x128xf32, #tpu.memory_space<vmem>>, vector<16xf32>,
          %parallel_loop3A_240 = arith.index_cast %parallel_loop3A_236 : i32 to index
          %parallel_loop3A_241 = arith.constant 0 : index
          %parallel_loop3A_242 = tpu.vector_load %arg11[%parallel_loop3A_240, %parallel_loop3A_241] {strides = array<i32>} : memref<80x128xf32, #tpu.memory_space<vmem>>, vector<16xf32>,
          %parallel_loop3A_243 = arith.mulf %parallel_loop3A_239, %parallel_loop3A_242 : vector<16xf32>
          %parallel_loop3A_244 = arith.index_cast %parallel_loop3A_236 : i32 to index
          %parallel_loop3A_245 = arith.constant 16 : index
          %parallel_loop3A_246 = tpu.vector_load %arg10[%parallel_loop3A_244, %parallel_loop3A_245] {strides = array<i32>} : memref<80x128xf32, #tpu.memory_space<vmem>>, vector<16xf32>,
          %parallel_loop3A_247 = arith.index_cast %parallel_loop3A_236 : i32 to index
          %parallel_loop3A_248 = arith.constant 16 : index
          %parallel_loop3A_249 = tpu.vector_load %arg11[%parallel_loop3A_247, %parallel_loop3A_248] {strides = array<i32>} : memref<80x128xf32, #tpu.memory_space<vmem>>, vector<16xf32>,
          %parallel_loop3A_250 = arith.mulf %parallel_loop3A_246, %parallel_loop3A_249 : vector<16xf32>
          %parallel_loop3A_251 = arith.addf %parallel_loop3A_243, %parallel_loop3A_250 : vector<16xf32>
          %parallel_loop3A_252 = arith.index_cast %parallel_loop3A_236 : i32 to index
          %parallel_loop3A_253 = arith.constant 32 : index
          %parallel_loop3A_254 = tpu.vector_load %arg10[%parallel_loop3A_252, %parallel_loop3A_253] {strides = array<i32>} : memref<80x128xf32, #tpu.memory_space<vmem>>, vector<16xf32>,
          %parallel_loop3A_255 = arith.index_cast %parallel_loop3A_236 : i32 to index
          %parallel_loop3A_256 = arith.constant 32 : index
          %parallel_loop3A_257 = tpu.vector_load %arg11[%parallel_loop3A_255, %parallel_loop3A_256] {strides = array<i32>} : memref<80x128xf32, #tpu.memory_space<vmem>>, vector<16xf32>,
          %parallel_loop3A_258 = arith.mulf %parallel_loop3A_254, %parallel_loop3A_257 : vector<16xf32>
          %parallel_loop3A_259 = arith.addf %parallel_loop3A_251, %parallel_loop3A_258 : vector<16xf32>
          %parallel_loop3A_260 = arith.index_cast %parallel_loop3A_236 : i32 to index
          %parallel_loop3A_261 = arith.constant 48 : index
          %parallel_loop3A_262 = tpu.vector_load %arg10[%parallel_loop3A_260, %parallel_loop3A_261] {strides = array<i32>} : memref<80x128xf32, #tpu.memory_space<vmem>>, vector<16xf32>,
          %parallel_loop3A_263 = arith.index_cast %parallel_loop3A_236 : i32 to index
          %parallel_loop3A_264 = arith.constant 48 : index
          %parallel_loop3A_265 = tpu.vector_load %arg11[%parallel_loop3A_263, %parallel_loop3A_264] {strides = array<i32>} : memref<80x128xf32, #tpu.memory_space<vmem>>, vector<16xf32>,
          %parallel_loop3A_266 = arith.mulf %parallel_loop3A_262, %parallel_loop3A_265 : vector<16xf32>
          %parallel_loop3A_267 = arith.addf %parallel_loop3A_259, %parallel_loop3A_266 : vector<16xf32>
          %parallel_loop3A_268 = arith.index_cast %parallel_loop3A_236 : i32 to index
          %parallel_loop3A_269 = arith.constant 64 : index
          %parallel_loop3A_270 = tpu.vector_load %arg10[%parallel_loop3A_268, %parallel_loop3A_269] {strides = array<i32>} : memref<80x128xf32, #tpu.memory_space<vmem>>, vector<16xf32>,
          %parallel_loop3A_271 = arith.index_cast %parallel_loop3A_236 : i32 to index
          %parallel_loop3A_272 = arith.constant 64 : index
          %parallel_loop3A_273 = tpu.vector_load %arg11[%parallel_loop3A_271, %parallel_loop3A_272] {strides = array<i32>} : memref<80x128xf32, #tpu.memory_space<vmem>>, vector<16xf32>,
          %parallel_loop3A_274 = arith.mulf %parallel_loop3A_270, %parallel_loop3A_273 : vector<16xf32>
          %parallel_loop3A_275 = arith.addf %parallel_loop3A_267, %parallel_loop3A_274 : vector<16xf32>
          %parallel_loop3A_276 = arith.index_cast %parallel_loop3A_236 : i32 to index
          %parallel_loop3A_277 = arith.constant 80 : index
          %parallel_loop3A_278 = tpu.vector_load %arg10[%parallel_loop3A_276, %parallel_loop3A_277] {strides = array<i32>} : memref<80x128xf32, #tpu.memory_space<vmem>>, vector<16xf32>,
          %parallel_loop3A_279 = arith.index_cast %parallel_loop3A_236 : i32 to index
          %parallel_loop3A_280 = arith.constant 80 : index
          %parallel_loop3A_281 = tpu.vector_load %arg11[%parallel_loop3A_279, %parallel_loop3A_280] {strides = array<i32>} : memref<80x128xf32, #tpu.memory_space<vmem>>, vector<16xf32>,
          %parallel_loop3A_282 = arith.mulf %parallel_loop3A_278, %parallel_loop3A_281 : vector<16xf32>
          %parallel_loop3A_283 = arith.addf %parallel_loop3A_275, %parallel_loop3A_282 : vector<16xf32>
          %parallel_loop3A_284 = arith.index_cast %parallel_loop3A_236 : i32 to index
          %parallel_loop3A_285 = arith.constant 96 : index
          %parallel_loop3A_286 = tpu.vector_load %arg10[%parallel_loop3A_284, %parallel_loop3A_285] {strides = array<i32>} : memref<80x128xf32, #tpu.memory_space<vmem>>, vector<16xf32>,
          %parallel_loop3A_287 = arith.index_cast %parallel_loop3A_236 : i32 to index
          %parallel_loop3A_288 = arith.constant 96 : index
          %parallel_loop3A_289 = tpu.vector_load %arg11[%parallel_loop3A_287, %parallel_loop3A_288] {strides = array<i32>} : memref<80x128xf32, #tpu.memory_space<vmem>>, vector<16xf32>,
          %parallel_loop3A_290 = arith.mulf %parallel_loop3A_286, %parallel_loop3A_289 : vector<16xf32>
          %parallel_loop3A_291 = arith.addf %parallel_loop3A_283, %parallel_loop3A_290 : vector<16xf32>
          %parallel_loop3A_292 = arith.index_cast %parallel_loop3A_236 : i32 to index
          %parallel_loop3A_293 = arith.constant 112 : index
          %parallel_loop3A_294 = tpu.vector_load %arg10[%parallel_loop3A_292, %parallel_loop3A_293] {strides = array<i32>} : memref<80x128xf32, #tpu.memory_space<vmem>>, vector<16xf32>,
          %parallel_loop3A_295 = arith.index_cast %parallel_loop3A_236 : i32 to index
          %parallel_loop3A_296 = arith.constant 112 : index
          %parallel_loop3A_297 = tpu.vector_load %arg11[%parallel_loop3A_295, %parallel_loop3A_296] {strides = array<i32>} : memref<80x128xf32, #tpu.memory_space<vmem>>, vector<16xf32>,
          %parallel_loop3A_298 = arith.mulf %parallel_loop3A_294, %parallel_loop3A_297 : vector<16xf32>
          %parallel_loop3A_299 = arith.addf %parallel_loop3A_291, %parallel_loop3A_298 : vector<16xf32>
          %parallel_loop3A_300 = arith.constant 17 : i32
          %parallel_loop3A_301 = arith.muli %parallel_loop3A_235, %parallel_loop3A_300 : i32
          %parallel_loop3A_302 = vector.broadcast %parallel_loop3A_301 : i32 to vector<16xi32>
          %parallel_loop3A_303 = arith.addi %iota3A, %parallel_loop3A_302 : vector<16xi32>
          tpu.vector_store_idx %arg13[%parallel_loop3A_303], %parallel_loop3A_299 : memref<272xf32, #tpu.memory_space<vmem>>[vector<16xi32>], vector<16xf32>,
        } {sc.loop_unroll_factor = 3 : i64, sc.parallel_access}
        %gather3A = tpu.vector_load_idx %arg13[%add3A_8] : memref<272xf32, #tpu.memory_space<vmem>>[vector<16xi32>], vector<16xf32>,
        %gather3A_197 = tpu.vector_load_idx %arg13[%add3A_14] : memref<272xf32, #tpu.memory_space<vmem>>[vector<16xi32>], vector<16xf32>,
        %add3A_198 = arith.addf %gather3A, %gather3A_197 : vector<16xf32>
        %gather3A_199 = tpu.vector_load_idx %arg13[%add3A_20] : memref<272xf32, #tpu.memory_space<vmem>>[vector<16xi32>], vector<16xf32>,
        %add3A_200 = arith.addf %add3A_198, %gather3A_199 : vector<16xf32>
        %gather3A_201 = tpu.vector_load_idx %arg13[%add3A_26] : memref<272xf32, #tpu.memory_space<vmem>>[vector<16xi32>], vector<16xf32>,
        %add3A_202 = arith.addf %add3A_200, %gather3A_201 : vector<16xf32>
        %gather3A_203 = tpu.vector_load_idx %arg13[%add3A_32] : memref<272xf32, #tpu.memory_space<vmem>>[vector<16xi32>], vector<16xf32>,
        %add3A_204 = arith.addf %add3A_202, %gather3A_203 : vector<16xf32>
        %gather3A_205 = tpu.vector_load_idx %arg13[%add3A_38] : memref<272xf32, #tpu.memory_space<vmem>>[vector<16xi32>], vector<16xf32>,
        %add3A_206 = arith.addf %add3A_204, %gather3A_205 : vector<16xf32>
        %gather3A_207 = tpu.vector_load_idx %arg13[%add3A_44] : memref<272xf32, #tpu.memory_space<vmem>>[vector<16xi32>], vector<16xf32>,
        %add3A_208 = arith.addf %add3A_206, %gather3A_207 : vector<16xf32>
        %gather3A_209 = tpu.vector_load_idx %arg13[%add3A_50] : memref<272xf32, #tpu.memory_space<vmem>>[vector<16xi32>], vector<16xf32>,
        %add3A_210 = arith.addf %add3A_208, %gather3A_209 : vector<16xf32>
        %gather3A_211 = tpu.vector_load_idx %arg13[%add3A_56] : memref<272xf32, #tpu.memory_space<vmem>>[vector<16xi32>], vector<16xf32>,
        %add3A_212 = arith.addf %add3A_210, %gather3A_211 : vector<16xf32>
        %gather3A_213 = tpu.vector_load_idx %arg13[%add3A_62] : memref<272xf32, #tpu.memory_space<vmem>>[vector<16xi32>], vector<16xf32>,
        %add3A_214 = arith.addf %add3A_212, %gather3A_213 : vector<16xf32>
        %gather3A_215 = tpu.vector_load_idx %arg13[%add3A_68] : memref<272xf32, #tpu.memory_space<vmem>>[vector<16xi32>], vector<16xf32>,
        %add3A_216 = arith.addf %add3A_214, %gather3A_215 : vector<16xf32>
        %gather3A_217 = tpu.vector_load_idx %arg13[%add3A_74] : memref<272xf32, #tpu.memory_space<vmem>>[vector<16xi32>], vector<16xf32>,
        %add3A_218 = arith.addf %add3A_216, %gather3A_217 : vector<16xf32>
        %gather3A_219 = tpu.vector_load_idx %arg13[%add3A_80] : memref<272xf32, #tpu.memory_space<vmem>>[vector<16xi32>], vector<16xf32>,
        %add3A_220 = arith.addf %add3A_218, %gather3A_219 : vector<16xf32>
        %gather3A_221 = tpu.vector_load_idx %arg13[%add3A_86] : memref<272xf32, #tpu.memory_space<vmem>>[vector<16xi32>], vector<16xf32>,
        %add3A_222 = arith.addf %add3A_220, %gather3A_221 : vector<16xf32>
        %gather3A_223 = tpu.vector_load_idx %arg13[%add3A_92] : memref<272xf32, #tpu.memory_space<vmem>>[vector<16xi32>], vector<16xf32>,
        %add3A_224 = arith.addf %add3A_222, %gather3A_223 : vector<16xf32>
        %gather3A_225 = tpu.vector_load_idx %arg13[%add3A_98] : memref<272xf32, #tpu.memory_space<vmem>>[vector<16xi32>], vector<16xf32>,
        %add3A_226 = arith.addf %add3A_224, %gather3A_225 : vector<16xf32>
        %neg3A = arith.constant 0.000000e+00 : f32
        %neg3A_227 = vector.broadcast %neg3A : f32 to vector<16xf32>
        %neg3A_228 = arith.subf %neg3A_227, %add3A_226 : vector<16xf32>
        %exp3A = math.exp %neg3A_228 : vector<16xf32>
        %add3A_229 = arith.constant 1.000000e+00 : f32
        %add3A_230 = vector.broadcast %add3A_229 : f32 to vector<16xf32>
        %add3A_231 = arith.addf %add3A_230, %exp3A : vector<16xf32>
        %div3A = arith.constant 1.000000e+00 : f32
        %div3A_232 = vector.broadcast %div3A : f32 to vector<16xf32>
        %div3A_233 = arith.divf %div3A_232, %add3A_231 : vector<16xf32>
        %swap3A = arith.index_cast %add3A_194 : i32 to index
        %swap3A_234 = tpu.vector_load %arg12[%swap3A] {strides = array<i32>} : memref<10000xf32, #tpu.memory_space<vmem>>, vector<16xf32>,
        tpu.vector_store %arg12[%swap3A], %div3A_233 {strides = array<i32>} : memref<10000xf32, #tpu.memory_space<vmem>>, vector<16xf32>,
      }
      %scan3A_188 = arith.constant 5 : i32
    }
    %scan3A_112 = arith.constant 62 : i32
    %dma_wait3A = arith.constant 0 : i32
    %dma_wait3A_113 = tpu.memref_slice %arg6[%dma_wait3A] : memref<10000xi32, #tpu.memory_space<vmem>> -> memref<80xi32, #tpu.memory_space<vmem>>
    %dma_wait3A_114 = arith.constant 0 : i32
    %dma_wait3A_115 = arith.constant 0 : i32
    %dma_wait3A_116 = tpu.memref_slice %arg2[%dma_wait3A_114, %dma_wait3A_115] : memref<10000x128xf32, #tpu.memory_space<hbm>> -> memref<10000x128xf32, #tpu.memory_space<hbm>>
    tpu.wait_indirect_dma semaphore(%arg14 : memref<!tpu.dma_semaphore, #tpu.memory_space<semaphore_mem>>) src(%dma_wait3A_116 : memref<10000x128xf32, #tpu.memory_space<hbm>>) dst(%arg8 : memref<80x128xf32, #tpu.memory_space<vmem>>)
    %dma_wait3A_117 = arith.constant 0 : i32
    %dma_wait3A_118 = tpu.memref_slice %arg7[%dma_wait3A_117] : memref<10000xi32, #tpu.memory_space<vmem>> -> memref<80xi32, #tpu.memory_space<vmem>>
    %dma_wait3A_119 = arith.constant 0 : i32
    %dma_wait3A_120 = arith.constant 0 : i32
    %dma_wait3A_121 = tpu.memref_slice %arg2[%dma_wait3A_119, %dma_wait3A_120] : memref<10000x128xf32, #tpu.memory_space<hbm>> -> memref<10000x128xf32, #tpu.memory_space<hbm>>
    tpu.wait_indirect_dma semaphore(%arg15 : memref<!tpu.dma_semaphore, #tpu.memory_space<semaphore_mem>>) src(%dma_wait3A_121 : memref<10000x128xf32, #tpu.memory_space<hbm>>) dst(%arg9 : memref<80x128xf32, #tpu.memory_space<vmem>>)
    %scan3A_122 = arith.constant 0 : i32
    %scan3A_123 = arith.constant 0 : i32
    %scan3A_124 = arith.constant 5 : i32
    %scan3A_125 = arith.addi %scan3A_123, %scan3A_124 : i32
    %scan3A_126 = arith.constant 1 : i32
    scf.for %scan3A_128 = %scan3A_123 to %scan3A_125 step %scan3A_126  : i32 {
      %mul3A_129 = arith.constant 16 : i32
      %mul3A_130 = arith.muli %scan3A_128, %mul3A_129 : i32
      %add3A_131 = arith.constant 9920 : i32
      %add3A_132 = arith.addi %add3A_131, %mul3A_130 : i32
      %parallel_loop3A = arith.constant 0 : i32
      %parallel_loop3A_133 = arith.constant 16 : i32
      %parallel_loop3A_134 = arith.constant 1 : i32
      scf.for %parallel_loop3A_173 = %parallel_loop3A to %parallel_loop3A_133 step %parallel_loop3A_134  : i32 {
        %parallel_loop3A_174 = arith.addi %mul3A_130, %parallel_loop3A_173 : i32
        %parallel_loop3A_175 = arith.index_cast %parallel_loop3A_174 : i32 to index
        %parallel_loop3A_176 = arith.constant 0 : index
        %parallel_loop3A_177 = tpu.vector_load %arg8[%parallel_loop3A_175, %parallel_loop3A_176] {strides = array<i32>} : memref<80x128xf32, #tpu.memory_space<vmem>>, vector<16xf32>,
        %parallel_loop3A_178 = arith.index_cast %parallel_loop3A_174 : i32 to index
        %parallel_loop3A_179 = arith.constant 0 : index
        %parallel_loop3A_180 = tpu.vector_load %arg9[%parallel_loop3A_178, %parallel_loop3A_179] {strides = array<i32>} : memref<80x128xf32, #tpu.memory_space<vmem>>, vector<16xf32>,
        %parallel_loop3A_181 = arith.mulf %parallel_loop3A_177, %parallel_loop3A_180 : vector<16xf32>
        %parallel_loop3A_182 = arith.index_cast %parallel_loop3A_174 : i32 to index
        %parallel_loop3A_183 = arith.constant 16 : index
        %parallel_loop3A_184 = tpu.vector_load %arg8[%parallel_loop3A_182, %parallel_loop3A_183] {strides = array<i32>} : memref<80x128xf32, #tpu.memory_space<vmem>>, vector<16xf32>,
        %parallel_loop3A_185 = arith.index_cast %parallel_loop3A_174 : i32 to index
        %parallel_loop3A_186 = arith.constant 16 : index
        %parallel_loop3A_187 = tpu.vector_load %arg9[%parallel_loop3A_185, %parallel_loop3A_186] {strides = array<i32>} : memref<80x128xf32, #tpu.memory_space<vmem>>, vector<16xf32>,
        %parallel_loop3A_188 = arith.mulf %parallel_loop3A_184, %parallel_loop3A_187 : vector<16xf32>
        %parallel_loop3A_189 = arith.addf %parallel_loop3A_181, %parallel_loop3A_188 : vector<16xf32>
        %parallel_loop3A_190 = arith.index_cast %parallel_loop3A_174 : i32 to index
        %parallel_loop3A_191 = arith.constant 32 : index
        %parallel_loop3A_192 = tpu.vector_load %arg8[%parallel_loop3A_190, %parallel_loop3A_191] {strides = array<i32>} : memref<80x128xf32, #tpu.memory_space<vmem>>, vector<16xf32>,
        %parallel_loop3A_193 = arith.index_cast %parallel_loop3A_174 : i32 to index
        %parallel_loop3A_194 = arith.constant 32 : index
        %parallel_loop3A_195 = tpu.vector_load %arg9[%parallel_loop3A_193, %parallel_loop3A_194] {strides = array<i32>} : memref<80x128xf32, #tpu.memory_space<vmem>>, vector<16xf32>,
        %parallel_loop3A_196 = arith.mulf %parallel_loop3A_192, %parallel_loop3A_195 : vector<16xf32>
        %parallel_loop3A_197 = arith.addf %parallel_loop3A_189, %parallel_loop3A_196 : vector<16xf32>
        %parallel_loop3A_198 = arith.index_cast %parallel_loop3A_174 : i32 to index
        %parallel_loop3A_199 = arith.constant 48 : index
        %parallel_loop3A_200 = tpu.vector_load %arg8[%parallel_loop3A_198, %parallel_loop3A_199] {strides = array<i32>} : memref<80x128xf32, #tpu.memory_space<vmem>>, vector<16xf32>,
        %parallel_loop3A_201 = arith.index_cast %parallel_loop3A_174 : i32 to index
        %parallel_loop3A_202 = arith.constant 48 : index
        %parallel_loop3A_203 = tpu.vector_load %arg9[%parallel_loop3A_201, %parallel_loop3A_202] {strides = array<i32>} : memref<80x128xf32, #tpu.memory_space<vmem>>, vector<16xf32>,
        %parallel_loop3A_204 = arith.mulf %parallel_loop3A_200, %parallel_loop3A_203 : vector<16xf32>
        %parallel_loop3A_205 = arith.addf %parallel_loop3A_197, %parallel_loop3A_204 : vector<16xf32>
        %parallel_loop3A_206 = arith.index_cast %parallel_loop3A_174 : i32 to index
        %parallel_loop3A_207 = arith.constant 64 : index
        %parallel_loop3A_208 = tpu.vector_load %arg8[%parallel_loop3A_206, %parallel_loop3A_207] {strides = array<i32>} : memref<80x128xf32, #tpu.memory_space<vmem>>, vector<16xf32>,
        %parallel_loop3A_209 = arith.index_cast %parallel_loop3A_174 : i32 to index
        %parallel_loop3A_210 = arith.constant 64 : index
        %parallel_loop3A_211 = tpu.vector_load %arg9[%parallel_loop3A_209, %parallel_loop3A_210] {strides = array<i32>} : memref<80x128xf32, #tpu.memory_space<vmem>>, vector<16xf32>,
        %parallel_loop3A_212 = arith.mulf %parallel_loop3A_208, %parallel_loop3A_211 : vector<16xf32>
        %parallel_loop3A_213 = arith.addf %parallel_loop3A_205, %parallel_loop3A_212 : vector<16xf32>
        %parallel_loop3A_214 = arith.index_cast %parallel_loop3A_174 : i32 to index
        %parallel_loop3A_215 = arith.constant 80 : index
        %parallel_loop3A_216 = tpu.vector_load %arg8[%parallel_loop3A_214, %parallel_loop3A_215] {strides = array<i32>} : memref<80x128xf32, #tpu.memory_space<vmem>>, vector<16xf32>,
        %parallel_loop3A_217 = arith.index_cast %parallel_loop3A_174 : i32 to index
        %parallel_loop3A_218 = arith.constant 80 : index
        %parallel_loop3A_219 = tpu.vector_load %arg9[%parallel_loop3A_217, %parallel_loop3A_218] {strides = array<i32>} : memref<80x128xf32, #tpu.memory_space<vmem>>, vector<16xf32>,
        %parallel_loop3A_220 = arith.mulf %parallel_loop3A_216, %parallel_loop3A_219 : vector<16xf32>
        %parallel_loop3A_221 = arith.addf %parallel_loop3A_213, %parallel_loop3A_220 : vector<16xf32>
        %parallel_loop3A_222 = arith.index_cast %parallel_loop3A_174 : i32 to index
        %parallel_loop3A_223 = arith.constant 96 : index
        %parallel_loop3A_224 = tpu.vector_load %arg8[%parallel_loop3A_222, %parallel_loop3A_223] {strides = array<i32>} : memref<80x128xf32, #tpu.memory_space<vmem>>, vector<16xf32>,
        %parallel_loop3A_225 = arith.index_cast %parallel_loop3A_174 : i32 to index
        %parallel_loop3A_226 = arith.constant 96 : index
        %parallel_loop3A_227 = tpu.vector_load %arg9[%parallel_loop3A_225, %parallel_loop3A_226] {strides = array<i32>} : memref<80x128xf32, #tpu.memory_space<vmem>>, vector<16xf32>,
        %parallel_loop3A_228 = arith.mulf %parallel_loop3A_224, %parallel_loop3A_227 : vector<16xf32>
        %parallel_loop3A_229 = arith.addf %parallel_loop3A_221, %parallel_loop3A_228 : vector<16xf32>
        %parallel_loop3A_230 = arith.index_cast %parallel_loop3A_174 : i32 to index
        %parallel_loop3A_231 = arith.constant 112 : index
        %parallel_loop3A_232 = tpu.vector_load %arg8[%parallel_loop3A_230, %parallel_loop3A_231] {strides = array<i32>} : memref<80x128xf32, #tpu.memory_space<vmem>>, vector<16xf32>,
        %parallel_loop3A_233 = arith.index_cast %parallel_loop3A_174 : i32 to index
        %parallel_loop3A_234 = arith.constant 112 : index
        %parallel_loop3A_235 = tpu.vector_load %arg9[%parallel_loop3A_233, %parallel_loop3A_234] {strides = array<i32>} : memref<80x128xf32, #tpu.memory_space<vmem>>, vector<16xf32>,
        %parallel_loop3A_236 = arith.mulf %parallel_loop3A_232, %parallel_loop3A_235 : vector<16xf32>
        %parallel_loop3A_237 = arith.addf %parallel_loop3A_229, %parallel_loop3A_236 : vector<16xf32>
        %parallel_loop3A_238 = arith.constant 17 : i32
        %parallel_loop3A_239 = arith.muli %parallel_loop3A_173, %parallel_loop3A_238 : i32
        %parallel_loop3A_240 = vector.broadcast %parallel_loop3A_239 : i32 to vector<16xi32>
        %parallel_loop3A_241 = arith.addi %iota3A, %parallel_loop3A_240 : vector<16xi32>
        tpu.vector_store_idx %arg13[%parallel_loop3A_241], %parallel_loop3A_237 : memref<272xf32, #tpu.memory_space<vmem>>[vector<16xi32>], vector<16xf32>,
      } {sc.loop_unroll_factor = 3 : i64, sc.parallel_access}
      %gather3A = tpu.vector_load_idx %arg13[%add3A_8] : memref<272xf32, #tpu.memory_space<vmem>>[vector<16xi32>], vector<16xf32>,
      %gather3A_135 = tpu.vector_load_idx %arg13[%add3A_14] : memref<272xf32, #tpu.memory_space<vmem>>[vector<16xi32>], vector<16xf32>,
      %add3A_136 = arith.addf %gather3A, %gather3A_135 : vector<16xf32>
      %gather3A_137 = tpu.vector_load_idx %arg13[%add3A_20] : memref<272xf32, #tpu.memory_space<vmem>>[vector<16xi32>], vector<16xf32>,
      %add3A_138 = arith.addf %add3A_136, %gather3A_137 : vector<16xf32>
      %gather3A_139 = tpu.vector_load_idx %arg13[%add3A_26] : memref<272xf32, #tpu.memory_space<vmem>>[vector<16xi32>], vector<16xf32>,
      %add3A_140 = arith.addf %add3A_138, %gather3A_139 : vector<16xf32>
      %gather3A_141 = tpu.vector_load_idx %arg13[%add3A_32] : memref<272xf32, #tpu.memory_space<vmem>>[vector<16xi32>], vector<16xf32>,
      %add3A_142 = arith.addf %add3A_140, %gather3A_141 : vector<16xf32>
      %gather3A_143 = tpu.vector_load_idx %arg13[%add3A_38] : memref<272xf32, #tpu.memory_space<vmem>>[vector<16xi32>], vector<16xf32>,
      %add3A_144 = arith.addf %add3A_142, %gather3A_143 : vector<16xf32>
      %gather3A_145 = tpu.vector_load_idx %arg13[%add3A_44] : memref<272xf32, #tpu.memory_space<vmem>>[vector<16xi32>], vector<16xf32>,
      %add3A_146 = arith.addf %add3A_144, %gather3A_145 : vector<16xf32>
      %gather3A_147 = tpu.vector_load_idx %arg13[%add3A_50] : memref<272xf32, #tpu.memory_space<vmem>>[vector<16xi32>], vector<16xf32>,
      %add3A_148 = arith.addf %add3A_146, %gather3A_147 : vector<16xf32>
      %gather3A_149 = tpu.vector_load_idx %arg13[%add3A_56] : memref<272xf32, #tpu.memory_space<vmem>>[vector<16xi32>], vector<16xf32>,
      %add3A_150 = arith.addf %add3A_148, %gather3A_149 : vector<16xf32>
      %gather3A_151 = tpu.vector_load_idx %arg13[%add3A_62] : memref<272xf32, #tpu.memory_space<vmem>>[vector<16xi32>], vector<16xf32>,
      %add3A_152 = arith.addf %add3A_150, %gather3A_151 : vector<16xf32>
      %gather3A_153 = tpu.vector_load_idx %arg13[%add3A_68] : memref<272xf32, #tpu.memory_space<vmem>>[vector<16xi32>], vector<16xf32>,
      %add3A_154 = arith.addf %add3A_152, %gather3A_153 : vector<16xf32>
      %gather3A_155 = tpu.vector_load_idx %arg13[%add3A_74] : memref<272xf32, #tpu.memory_space<vmem>>[vector<16xi32>], vector<16xf32>,
      %add3A_156 = arith.addf %add3A_154, %gather3A_155 : vector<16xf32>
      %gather3A_157 = tpu.vector_load_idx %arg13[%add3A_80] : memref<272xf32, #tpu.memory_space<vmem>>[vector<16xi32>], vector<16xf32>,
      %add3A_158 = arith.addf %add3A_156, %gather3A_157 : vector<16xf32>
      %gather3A_159 = tpu.vector_load_idx %arg13[%add3A_86] : memref<272xf32, #tpu.memory_space<vmem>>[vector<16xi32>], vector<16xf32>,
      %add3A_160 = arith.addf %add3A_158, %gather3A_159 : vector<16xf32>
      %gather3A_161 = tpu.vector_load_idx %arg13[%add3A_92] : memref<272xf32, #tpu.memory_space<vmem>>[vector<16xi32>], vector<16xf32>,
      %add3A_162 = arith.addf %add3A_160, %gather3A_161 : vector<16xf32>
      %gather3A_163 = tpu.vector_load_idx %arg13[%add3A_98] : memref<272xf32, #tpu.memory_space<vmem>>[vector<16xi32>], vector<16xf32>,
      %add3A_164 = arith.addf %add3A_162, %gather3A_163 : vector<16xf32>
      %neg3A = arith.constant 0.000000e+00 : f32
      %neg3A_165 = vector.broadcast %neg3A : f32 to vector<16xf32>
      %neg3A_166 = arith.subf %neg3A_165, %add3A_164 : vector<16xf32>
      %exp3A = math.exp %neg3A_166 : vector<16xf32>
      %add3A_167 = arith.constant 1.000000e+00 : f32
      %add3A_168 = vector.broadcast %add3A_167 : f32 to vector<16xf32>
      %add3A_169 = arith.addf %add3A_168, %exp3A : vector<16xf32>
      %div3A = arith.constant 1.000000e+00 : f32
      %div3A_170 = vector.broadcast %div3A : f32 to vector<16xf32>
      %div3A_171 = arith.divf %div3A_170, %add3A_169 : vector<16xf32>
      %swap3A = arith.index_cast %add3A_132 : i32 to index
      %swap3A_172 = tpu.vector_load %arg12[%swap3A] {strides = array<i32>} : memref<10000xf32, #tpu.memory_space<vmem>>, vector<16xf32>,
      tpu.vector_store %arg12[%swap3A], %div3A_171 {strides = array<i32>} : memref<10000xf32, #tpu.memory_space<vmem>>, vector<16xf32>,
    }
    %scan3A_127 = arith.constant 5 : i32
    "tpu.region"() ({
      %run_scoped3A = tpu.sem_alloc : memref<!tpu.dma_semaphore, #tpu.memory_space<semaphore_mem>>
      %dma_start3A_128 = tpu.memref_slice %arg5[%mul3A_2] : memref<320000xf32, #tpu.memory_space<hbm>> -> memref<10000xf32, #tpu.memory_space<hbm>>
      %dma_start3A_129 = tpu.memref_slice %arg5[%mul3A_2] : memref<320000xf32, #tpu.memory_space<hbm>> -> memref<10000xf32, #tpu.memory_space<hbm>>
      tpu.enqueue_dma source(%arg12 : memref<10000xf32, #tpu.memory_space<vmem>>) target(%dma_start3A_129 : memref<10000xf32, #tpu.memory_space<hbm>>) target_semaphore(%run_scoped3A : memref<!tpu.dma_semaphore, #tpu.memory_space<semaphore_mem>>)
      %dma_wait3A_130 = tpu.memref_slice %arg5[%mul3A_2] : memref<320000xf32, #tpu.memory_space<hbm>> -> memref<10000xf32, #tpu.memory_space<hbm>>
      %dma_wait3A_131 = tpu.memref_slice %arg5[%mul3A_2] : memref<320000xf32, #tpu.memory_space<hbm>> -> memref<10000xf32, #tpu.memory_space<hbm>>
      tpu.wait_dma2 semaphore(%run_scoped3A : memref<!tpu.dma_semaphore, #tpu.memory_space<semaphore_mem>>) src(%arg12 : memref<10000xf32, #tpu.memory_space<vmem>>) dst(%dma_wait3A_131 : memref<10000xf32, #tpu.memory_space<hbm>>)
      tpu.yield
    }) : () -> ()
    return
  }
}

</mosaic_0001>

<sc_bundles>
// kernel: kernel.3.cloned.1.call-start
scs
__scs_entry_jumppad:
0x0: {  	(pc) =	sbr.rel $0x88, $3  }
0x1: {  	(tag) =	ssettag $0x0;
	lr =	simm.s32 $0x1  }
0x2: {  	[smem:$0x3F9F] =	sst lr;
	_ =	strace $0xD0000000  }
0x3: {  	_ = 	snop  }
0x4: {  	_ = 	snop  }
0x5: {  	_ = 	snop  }
0x6: {  	_ = 	snop  }
0x7: {  	_ = 	snop  }
__scs_overlays_trampoline_lowered:
0x8: {  	[smem:$0x3FAE] =	sst s0  }
0x9: {  	[smem:$0x3FAF] =	sst s1  }
0xa: {  	[smem:$0x3FB0] =	sst s2  }
0xb: {  	[smem:$0x3FB1] =	sst s3  }
0xc: {  	[smem:$0x3FB2] =	sst s4  }
0xd: {  	[smem:$0x3FB3] =	sst s5  }
0xe: {  	[smem:$0x3FB4] =	sst s6  }
0xf: {  	[smem:$0x3FB5] =	sst s7  }
0x10: {  	[smem:$0x3FB6] =	sst s8  }
0x11: {  	[smem:$0x3FB7] =	sst s9;
	s0 =	simm.s32 @!p0 $0x0  }
0x12: {  	s1 =	sld [smem:$0x3F9D];
	s0 =	simm.s32 @p0 $0x1  }
0x13: {  	[smem:$0x3FB8] =	sst s0;
	s0 =	simm.s32 @!p1 $0x0  }
0x14: {  	s2 =	sld [smem:$0x3F9C];
	s0 =	simm.s32 @p1 $0x1  }
0x15: {  	[smem:$0x3FB9] =	sst s0;
	s0 =	simm.s32 @!p2 $0x0  }
0x16: {  	s3 =	sld [smem:$0x3FDB];
	s0 =	simm.s32 @p2 $0x1  }
0x17: {  	s4 =	simm.s32 $0x1BF5;
	[smem:$0x3FBB] =	sst s0  }
0x18: {  	s0 =	sld [smem:$0x3F9E];
	_ =	swait.ge [sflag:s4], $0x0  }
0x19: {  	s7 =	sld [smem:$0x3F9F]  }
0x1a: {  	s8 =	sadd.s32 $0xFFFFE003, lr  }
0x1b: {  	s9 =	sadd.s32 $0xFFFFFEF7, lr;
	s5 =	simm.s32 $0xFFFFFFFF;
	p2 =	slt.u32 s8, $0xFFFFF086  }
0x1c: {  	p1 =	slt.u32 s9, $0xF7A;
	s5 =	simm.s32 @!p2 $0x0  }
0x1d: {  	s5 =	simm.s32 @p1 $0x1;
	p0 =	seq.s32 s7, s2  }
0x1e: {  	s7 =	smul.u32 @!p0 $0xF7A, s2;
	p2 =	seq.s32 @!p0 s5, $0x0  }
0x1f: {  	s9 =	smul.u32 $0xF7A, s1;
	s8 =	simm.s32 @!p0 $0x1BF5;
	p2 =	por !p2, p0  }
0x20: {  	[sflag:s8] =	ssyncset.s32 @!p0 $0xFFFFF086;
	s6 =	sadd.s32 @!p0 s3, s7;
	s7 =	simm.s32 @!p0 $0x108  }
0x21: {  	s3 =	sadd.s32 s3, s9;
	s6 =	sadd.s32 @!p0 $0x88, s6;
	s7 =	simm.s32 @p2 $0x1082  }
0x22: {  	[simem:s7], [sflag:s8] =	dma.local @!p0 [hbm:s6], $0xF7A  }
0x23: {  	s9 =	sor.u32 $0xD0000000, s2;
	s6 =	simm.s32 $0x108;
	_ =	swait.ge @!p0 [sflag:s8], $0x0  }
0x24: {  	s3 =	sadd.s32 $0x88, s3;
	s6 =	simm.s32 @!p1 $0x1082;
	[sflag:s4] =	ssyncset.s32 $0xFFFFF086  }
0x25: {  	[simem:s6], [sflag:s4] =	dma.local [hbm:s3], $0xF7A  }
0x26: {  	[smem:$0x3F9F] =	sst s1;
	(tag) =	ssettag s2;
	_ =	strace s9  }
0x27: {  	s1 =	sld [smem:$0x3FAF]  }
0x28: {  	s2 =	sld [smem:$0x3FB0]  }
0x29: {  	s4 =	sld [smem:$0x3FB2]  }
0x2a: {  	p0 =	seq.s32 s5, $0x0;
	s5 =	sld [smem:$0x3FB3]  }
0x2b: {  	s6 =	sld [smem:$0x3FB4]  }
0x2c: {  	s7 =	sld [smem:$0x3FB5]  }
0x2d: {  	s3 =	simm.s32 $0x108;
	s8 =	sld [smem:$0x3FB6]  }
0x2e: {  	s3 =	simm.s32 @!p0 $0x1082;
	s9 =	sld [smem:$0x3FB7]  }
0x2f: {  	lr =	sadd.s32 s0, s3;
	s0 =	sld [smem:$0x3FAE]  }
0x30: {  	s3 =	sld [smem:$0x3FB1]  }
0x31: {  	[smem:$0x3FBA] =	sst s10  }
0x32: {  	s10 =	sld [smem:$0x3FB8];
	_ =	sdelay $0x3  }
0x33: {  	p0 =	seq.s32 s10, $0x1;
	s10 =	sld [smem:$0x3FBA];
	_ =	sdelay $0x3  }
0x34: {  	[smem:$0x3FBA] =	sst s10  }
0x35: {  	s10 =	sld [smem:$0x3FB9];
	_ =	sdelay $0x3  }
0x36: {  	p1 =	seq.s32 s10, $0x1;
	s10 =	sld [smem:$0x3FBA];
	_ =	sdelay $0x3  }
0x37: {  	[smem:$0x3FBA] =	sst s10  }
0x38: {  	s10 =	sld [smem:$0x3FBB]  }
0x39: {  	_ = 	snop;
	(pc) =	sbr.ind lr, $3  }
0x3a: {  	_ = 	snop  }
0x3b: {  	_ = 	snop  }
0x3c: {  	p2 =	seq.s32 s10, $0x1;
	s10 =	sld [smem:$0x3FBA]  }
0x3d: {  	_ =	shalt  }
0x3e: {  	_ =	shalt  }
0x3f: {  	_ =	shalt  }
0x40: {  	_ =	shalt  }
0x41: {  	_ =	shalt  }
0x42: {  	_ =	shalt  }
0x43: {  	_ =	shalt  }
0x44: {  	_ =	shalt  }
0x45: {  	_ =	shalt  }
0x46: {  	_ =	shalt  }
0x47: {  	_ =	shalt  }
0x48: {  	_ =	shalt  }
0x49: {  	_ =	shalt  }
0x4a: {  	_ =	shalt  }
0x4b: {  	_ =	shalt  }
0x4c: {  	_ =	shalt  }
0x4d: {  	_ =	shalt  }
0x4e: {  	_ =	shalt  }
0x4f: {  	_ =	shalt  }
0x50: {  	_ =	shalt  }
0x51: {  	_ =	shalt  }
0x52: {  	_ =	shalt  }
0x53: {  	_ =	shalt  }
0x54: {  	_ =	shalt  }
0x55: {  	_ =	shalt  }
0x56: {  	_ =	shalt  }
0x57: {  	_ =	shalt  }
0x58: {  	_ =	shalt  }
0x59: {  	_ =	shalt  }
0x5a: {  	_ =	shalt  }
0x5b: {  	_ =	shalt  }
0x5c: {  	_ =	shalt  }
0x5d: {  	_ =	shalt  }
0x5e: {  	_ =	shalt  }
0x5f: {  	_ =	shalt  }
0x60: {  	_ =	shalt  }
0x61: {  	_ =	shalt  }
0x62: {  	_ =	shalt  }
0x63: {  	_ =	shalt  }
0x64: {  	_ =	shalt  }
0x65: {  	_ =	shalt  }
0x66: {  	_ =	shalt  }
0x67: {  	_ =	shalt  }
0x68: {  	_ =	shalt  }
0x69: {  	_ =	shalt  }
0x6a: {  	_ =	shalt  }
0x6b: {  	_ =	shalt  }
0x6c: {  	_ =	shalt  }
0x6d: {  	_ =	shalt  }
0x6e: {  	_ =	shalt  }
0x6f: {  	_ =	shalt  }
0x70: {  	_ =	shalt  }
0x71: {  	_ =	shalt  }
0x72: {  	_ =	shalt  }
0x73: {  	_ =	shalt  }
0x74: {  	_ =	shalt  }
0x75: {  	_ =	shalt  }
0x76: {  	_ =	shalt  }
0x77: {  	_ =	shalt  }
0x78: {  	_ =	shalt  }
0x79: {  	_ =	shalt  }
0x7a: {  	_ =	shalt  }
0x7b: {  	_ =	shalt  }
0x7c: {  	_ =	shalt  }
0x7d: {  	_ =	shalt  }
0x7e: {  	_ =	shalt  }
0x7f: {  	_ =	shalt  }
0x80: {  	_ =	shalt  }
0x81: {  	_ =	shalt  }
0x82: {  	_ =	shalt  }
0x83: {  	_ =	shalt  }
0x84: {  	_ =	shalt  }
0x85: {  	_ =	shalt  }
0x86: {  	_ =	shalt  }
0x87: {  	_ =	shalt  }
.Lfunc_end0:
.L_simem_size_0:
called_computation_lowered:
.L_overlay_start_0:
0x88: {  	s2 =	sld [smem:$0x3FD9]  }
0x89: {  	s3 =	sld [smem:$0x3FFE];
	_ =	sdelay $0x1  }
0x8a: {  	s1 =	srdreg.scid  }
0x8b: {  	s0 =	sand.u32 $0x1, s1  }
0x8c: {  	s14 =	sshll.u32 s0, $0xA;
	s2 =	sadd.s32 s3, s2  }
0x8d: {  	s2 =	sadd.s32 s2, s14  }
0x8e: {  	[smem:$0x3FC6] =	sst s2  }
0x8f: {  	_ = 	snop  }
0x90: {  	s2 =	sld [smem:$0x3FD0];
	_ =	sdelay $0x2  }
0x91: {  	s4 =	simm.s32 $0xA;
	s5 =	simm.s32 $0x10;
	s15 =	sld [smem:$0x3FC9]  }
0x92: {  	[smem:s5], [sflag:s4] =	dma.local [hbm:s2], $0x1  }
0x93: {  	_ =	swait.eq [sflag:s4], $0x1  }
0x94: {  	[sflag:s4] =	ssyncset.done $0x0  }
0x95: {  	s16 =	sld [smem:$0x10];
	[sflag:s4] =	ssyncadd.s32 $0xFFFFFFFF  }
0x96: {  	s17 =	sld [smem:$0x11];
	(tm) =	ssettm $0x1  }
0x97: {  	s18 =	sld [smem:$0x3FFB];
	_ =	sdelay $0x3  }
0x98: {  	_ =	strace s18  }
0x99: {  	s5 =	sld [smem:$0x3FFC];
	_ =	sdelay $0x3  }
0x9a: {  	_ =	strace s5  }
0x9b: {  	s5 =	sld [smem:$0x3FFD];
	_ =	sdelay $0x3  }
0x9c: {  	_ =	strace s5  }
0x9d: {  	_ =	strace $0x8FFFFFFF  }
0x9e: {  	s19 =	sld [smem:$0x3FDB];
	_ =	sdelay $0x1  }
0x9f: {  	s6 =	simm.s32 $_scs_section_size  }
0xa0: {  	s7 =	simm.s32 $_size__tile_overlayer_lowered;
	s8 =	simm.s32 $_tile_overlayer_lowered  }
0xa1: {  	s22 =	simm.s32 $0x1BFF;
	s21 =	sshll.u32 s8, $0x1;
	s5 =	sadd.s32 s6, s19  }
0xa2: {  	s9 =	simm.s32 $0x0;
	s20 =	sshll.u32 s7, $0x1;
	s7 =	sadd.s32 s21, s5  }
0xa3: {  	[timem:s9], [sflag:s22] =	dma.local [hbm:s7], s20  }
0xa4: {  	_ =	swait.ge [sflag:s22], s20  }
0xa5: {  	s6 =	ssub.s32 $0x0, s20;
	[sflag:s22] =	ssyncset.done $0x0  }
0xa6: {  	[sflag:s22] =	ssyncadd.s32 s6;
	_ =	sdelay $0x1  }
0xa7: {  	s23 =	simm.s32 $0x1B8B  }
0xa8: {  	_ =	swait.ge [sflag:s23], $0x1  }
0xa9: {  	[sflag:s23] =	ssyncset.done $0x0  }
0xaa: {  	s25 =	simm.s32 $0x1B8E;
	s24 =	sld [smem:$0x3FFE];
	[sflag:s23] =	ssyncadd.s32 $0xFFFFFFFF  }
0xab: {  	s26 =	simm.s32 $execute0_lowered;
	[smem:$0x3FD2] =	sst s25  }
0xac: {  	s7 =	sshll.u32 s26, $0x1;
	_ =	strace $0x80000046;
	[dreg:$0x1] =	wrdreg $0xFFFFFFFF  }
0xad: {  	s28 =	simm.s32 $_size_execute0_lowered;
	s5 =	sadd.s32 s5, s7;
	[dreg:$0x0] =	wrdreg $0x0  }
0xae: {  	s7 =	sshll.u32 s28, $0x1;
	[dreg:$0x2] =	wrdreg s5  }
0xaf: {  	[dreg:$0x3] =	wrdreg s7  }
0xb0: {  	[dreg:$0x4] =	wrdreg $0xC0  }
0xb1: {  	_ =	task [dreg:s9], $0x5FFFF  }
0xb2: {  	[dreg:$0x1] =	wrdreg $0xFFFFFFFF  }
0xb3: {  	[dreg:$0x0] =	wrdreg $0x60  }
0xb4: {  	[dreg:$0x2] =	wrdreg s15  }
0xb5: {  	[dreg:$0x3] =	wrdreg s24  }
0xb6: {  	[dreg:$0x4] =	wrdreg s17  }
0xb7: {  	[dreg:$0x5] =	wrdreg s16  }
0xb8: {  	[dreg:$0x6] =	wrdreg $0x9  }
0xb9: {  	_ =	task.clear_ibuf [dreg:s9], $0x7FFFF;
	_ =	strace $0x90000046  }
0xba: {  	s29 =	simm.s32 $0x9;
	_ =	strace $0x80000048  }
0xbb: {  	_ =	swait.ge [sflag:s29], $0x1  }
0xbc: {  	[sflag:s29] =	ssyncadd.s32 $0xFFFFFFFF  }
0xbd: {  	_ =	strace $0x90000048  }
0xbe: {  	_ =	sfence  }
0xbf: {  	s30 =	sld [smem:$0x0];
	_ =	sdelay $0x2  }
0xc0: {  	s31 =	sshll.u32 s1, $0xD;
	s1 =	sshrl.u32 s1, $0x2  }
0xc1: {  	s3 =	sand.u32 $0x4000, s31;
	s1 =	sadd.s32 s1, s30  }
0xc2: {  	s0 =	sor.u32 s3, s0;
	s1 =	sshll.u32 s1, $0x11  }
0xc3: {  	s0 =	sor.u32 s1, s0  }
0xc4: {  	s0 =	sadd.s32 $0x8F2B, s0  }
0xc5: {  	[sflag:s0] =	ssyncadd.remote.s32 $0x1  }
0xc6: {  	_ =	sfence.sel $0xFFFF  }
0xc7: {  	[dreg:$0x0] =	wrdreg $0xFFFFFFFF;
	(pc) =	sbr.abs _section_cstart, $3  }
0xc8: {  	[dreg:$0x1] =	wrdreg $0xFFFFFFFF  }
0xc9: {  	_ =	task.clear_ibuf [dreg:s9], $0x2FFFF;
	_ =	strace $0x9FFFFFFF  }
0xca: {  	(tm) =	ssettm $0x7FFFFFFF  }
0xcb: {  	_ =	shalt  }
tec
execute0_lowered:
.L_overlay_start_1:
0x0: {  	(tag) =	ssettag $0x1  }
0x1: {  	s1 =	rddreg [dreg:$0x0]  }
0x2: {  	s0 =	rddreg [dreg:$0x1]  }
0x3: {  	s2 =	rddreg [dreg:$0x2]  }
0x4: {  	s6 =	rddreg [dreg:$0x3];
	s3 =	srdreg.scid  }
0x5: {  	s5 =	stileid.u32;
	s10 =	simm.s32 $0x50;
	s11 =	simm.s32 $0x4F00  }
0x6: {  	v0 =	vlaneseq.u32;
	s12 =	simm.s32 $0x7700;
	s13 =	simm.s32 $0x9F00;
	s14 =	simm.s32 $0xC700  }
0x7: {  	s15 =	simm.s32 $0x1;
	s16 =	simm.s32 $0x2;
	s17 =	simm.s32 $0x11680;
	v1 =	vmul.u32 $0x11, v0  }
0x8: {  	s18 =	simm.s32 $0x3;
	s4 =	sand.u32 $0x1, s3;
	s5 =	sshll.u32 s5, $0x1;
	v2 =	vadd.s32 $0xFF, v0  }
0x9: {  	s3 =	simm.s32 $0x0;
	s7 =	ssub.s32 $0x2, s4;
	s4 =	sor.u32 s4, s5;
	v3 =	vadd.s32 $0x1, v1;
	v4 =	vadd.s32 $0x2, v1;
	v5 =	vadd.s32 $0x3, v1  }
0xa: {  	s19 =	simm.s32 $0x4;
	[smem:$0x7FF] =	sst s3;
	s8 =	smul.u32 $0x4E2, s4;
	v6 =	vadd.s32 $0x4, v1;
	v7 =	vadd.s32 $0x5, v1;
	v8 =	vadd.s32 $0x6, v1  }
0xb: {  	s21 =	simm.s32 $0x0;
	s31 =	sshrl.u32 s7, $0x1;
	_ =	strace $0x80000047;
	v9 =	vadd.s32 $0x7, v1;
	v10 =	vadd.s32 $0x8, v1;
	v11 =	vadd.s32 $0x9, v1  }
0xc: {  	v12 =	vadd.s32 $0xA, v1;
	v13 =	vadd.s32 $0xB, v1;
	v14 =	vadd.s32 $0xC, v1;
	s7 =	ssub.s32 s7, s31;
	s4 =	sadd.s32 s0, s8;
	s5 =	sadd.s32 s2, s8  }
0xd: {  	v15 =	vadd.s32 $0xD, v1;
	v16 =	vadd.s32 $0xE, v1;
	v17 =	vadd.s32 $0xF, v1;
	s6 =	sadd.s32 s6, s8;
	s7 =	smax.u32 s7, $0x1;
	s8 =	simm.s32 $0x5  }
.LBB2_1:
0xe: {  	[tilespmem:s3], [sflag:$0x5] =	stream.linear.gather [hbm4b:s4+s3], $0x2710, $0x38;
	[tilespmem:$0x11800] =	vst v63  }
0xf: {  	_ =	swait.ge [sflag:s8], $0x2710  }
0x10: {  	[sflag:s8] =	ssyncset.done $0x0  }
0x11: {  	s0 =	simm.s32 $0x2780;
	[sflag:s8] =	ssyncadd.s32 $0xFFFFD8F0  }
0x12: {  	[tilespmem:s0], [sflag:$0x5] =	stream.linear.gather [hbm4b:s5+s3], $0x2710, $0x38;
	[tilespmem:$0x11800] =	vst v63  }
0x13: {  	_ =	swait.ge [sflag:s8], $0x2710  }
0x14: {  	[sflag:s8] =	ssyncset.done $0x0  }
0x15: {  	[sflag:s8] =	ssyncadd.s32 $0xFFFFD8F0  }
0x16: {  	[tilespmem:s11], [sflag:$0x1] =	stream.indirect.gather [hbm4b:s1+s10], $0x80, s3, s10, $0xb8;
	[tilespmem:$0x11800] =	vst v63  }
0x17: {  	s22 =	simm.s32 $0x0  }
0x18: {  	[tilespmem:s12], [sflag:$0x2] =	stream.indirect.gather [hbm4b:s1+s10], $0x80, s0, s10, $0xb8;
	[tilespmem:$0x11800] =	vst v63  }
.LBB2_2:
0x19: {  	s24 =	smul.u32 $0xA0, s22;
	_ =	sdelay $0x1  }
0x1a: {  	s23 =	sadd.s32 $0x50, s24  }
0x1b: {  	[tilespmem:s13], [sflag:$0x3] =	stream.indirect.gather [hbm4b:s1+s10], $0x80, s23, s10, $0xb8;
	[tilespmem:$0x11800] =	vst v63  }
0x1c: {  	s0 =	sadd.s32 $0x27D0, s24  }
0x1d: {  	[tilespmem:s14], [sflag:$0x4] =	stream.indirect.gather [hbm4b:s1+s10], $0x80, s0, s10, $0xb8;
	[tilespmem:$0x11800] =	vst v63  }
0x1e: {  	_ =	swait.ge [sflag:s15], $0x2800  }
0x1f: {  	s31 =	smul.u32 $0x280, s22;
	[sflag:s15] =	ssyncset.done $0x0  }
0x20: {  	[sflag:s15] =	ssyncadd.s32 $0xFFFFD800  }
0x21: {  	s0 =	sshra.s32 s31, $0x2;
	_ =	swait.ge [sflag:s16], $0x2800  }
0x22: {  	s25 =	simm.s32 $0x0;
	s0 =	sadd.s32 $0xEF00, s0;
	[sflag:s16] =	ssyncset.done $0x0  }
0x23: {  	s2 =	simm.s32 $0x77C0;
	s28 =	simm.s32 $0x4FC0;
	v18 =	vmov s0;
	[sflag:s16] =	ssyncadd.s32 $0xFFFFD800  }
.LBB2_3:
0x24: {  	v19 =	vld [tilespmem:s28+$0x40]  }
0x25: {  	v20 =	vld [tilespmem:s2+$0x40]  }
0x26: {  	v21 =	vld [tilespmem:s28+$0x50]  }
0x27: {  	v22 =	vld [tilespmem:s2+$0x50]  }
0x28: {  	v23 =	vld [tilespmem:s28+$0x60]  }
0x29: {  	v24 =	vld [tilespmem:s2+$0x60]  }
0x2a: {  	v25 =	vld [tilespmem:s28+$0x70]  }
0x2b: {  	v26 =	vld [tilespmem:s2+$0x70]  }
0x2c: {  	v27 =	vld [tilespmem:s28+$0x80]  }
0x2d: {  	v28 =	vld [tilespmem:s2+$0x80]  }
0x2e: {  	v29 =	vld [tilespmem:s28+$0x90]  }
0x2f: {  	v30 =	vld [tilespmem:s2+$0x90]  }
0x30: {  	v31 =	vld [tilespmem:s28+$0xA0]  }
0x31: {  	v32 =	vld [tilespmem:s2+$0xA0]  }
0x32: {  	v33 =	vld [tilespmem:s28+$0xB0]  }
0x33: {  	v34 =	vld [tilespmem:s2+$0xB0]  }
0x34: {  	v35 =	vld [tilespmem:s2+$0xFFFFFF40]  }
0x35: {  	v36 =	vld [tilespmem:s28+$0xFFFFFF50]  }
0x36: {  	v37 =	vld [tilespmem:s2+$0xFFFFFF50]  }
0x37: {  	v38 =	vld [tilespmem:s28+$0xFFFFFFC0]  }
0x38: {  	v39 =	vld [tilespmem:s2+$0xFFFFFFC0]  }
0x39: {  	v40 =	vld [tilespmem:s28+$0xFFFFFFD0]  }
0x3a: {  	v41 =	vld [tilespmem:s2+$0xFFFFFFD0]  }
0x3b: {  	v42 =	vld [tilespmem:s28+$0xFFFFFF40]  }
0x3c: {  	v43 =	vld [tilespmem:s28+$0xFFFFFF60]  }
0x3d: {  	v44 =	vld [tilespmem:s2+$0xFFFFFF60]  }
0x3e: {  	v45 =	vld [tilespmem:s28+$0xFFFFFFE0]  }
0x3f: {  	v46 =	vld [tilespmem:s2+$0xFFFFFFE0]  }
0x40: {  	v56 =	vld [tilespmem:s28+$0xFFFFFF90];
	v19 =	vmul.f32 v20, v19;
	v20 =	vmul.f32 v22, v21  }
0x41: {  	v21 =	vld [tilespmem:s28+$0xFFFFFF70]  }
0x42: {  	v22 =	vld [tilespmem:s2+$0xFFFFFF70];
	v19 =	vadd.f32 v20, v19;
	v20 =	vmul.f32 v24, v23  }
0x43: {  	v23 =	vld [tilespmem:s28+$0xFFFFFFF0]  }
0x44: {  	v24 =	vld [tilespmem:s2+$0xFFFFFFF0];
	v19 =	vadd.f32 v20, v19;
	v20 =	vmul.f32 v26, v25  }
0x45: {  	v25 =	vld [tilespmem:s28+$0xFFFFFF80]  }
0x46: {  	s30 =	simm.s32 $0x22;
	v57 =	vmul.f32 v39, v38;
	v26 =	vld [tilespmem:s2+$0xFFFFFF80];
	v19 =	vadd.f32 v20, v19;
	v20 =	vmul.f32 v28, v27  }
0x47: {  	v63 =	vadd.s32 s30, v0;
	v58 =	vmul.f32 v41, v40;
	v27 =	vld [tilespmem:s28+$0x0];
	v28 =	vmul.f32 v30, v29  }
0x48: {  	v29 =	vld [tilespmem:s2+$0x0];
	v30 =	vmul.f32 v35, v42;
	v19 =	vadd.f32 v20, v19;
	v20 =	vmul.f32 v37, v36  }
0x49: {  	v59 =	vld [tilespmem:s2+$0xFFFFFF90];
	v31 =	vmul.f32 v32, v31;
	v61 =	vmul.f32 v46, v45;
	v60 =	vadd.f32 v58, v57  }
0x4a: {  	v62 =	vld [tilespmem:s2+$0x10];
	v19 =	vadd.f32 v28, v19;
	v20 =	vadd.f32 v20, v30;
	v28 =	vmul.f32 v44, v43  }
0x4b: {  	v21 =	vmul.f32 v22, v21;
	v22 =	vadd.f32 v61, v60;
	v23 =	vmul.f32 v24, v23;
	v30 =	vld [tilespmem:s28+$0x10]  }
0x4c: {  	v24 =	vmul.f32 v26, v25;
	v25 =	vmul.f32 v34, v33;
	v20 =	vadd.f32 v28, v20;
	v28 =	vld [tilespmem:s28+$0xFFFFFFA0]  }
0x4d: {  	v26 =	vadd.f32 v23, v22;
	v27 =	vmul.f32 v29, v27;
	v19 =	vadd.f32 v31, v19;
	v31 =	vld [tilespmem:s2+$0xFFFFFFA0]  }
0x4e: {  	v23 =	vld [tilespmem:s2+$0x20];
	v20 =	vadd.f32 v21, v20  }
0x4f: {  	v26 =	vadd.f32 v27, v26;
	v21 =	vld [tilespmem:s28+$0x20];
	v29 =	vadd.f32 v25, v19  }
0x50: {  	v22 =	vld [tilespmem:s28+$0xFFFFFFB0];
	v30 =	vmul.f32 v62, v30;
	v20 =	vadd.f32 v24, v20;
	v24 =	vmul.f32 v59, v56  }
0x51: {  	v25 =	vld [tilespmem:s2+$0xFFFFFFB0];
	[tilespmem:v63+s17+$0x0] =	vst.idx.msk $0xffff, v29  }
0x52: {  	s0 =	simm.s32 $0x0;
	s26 =	simm.s32 $0x11;
	s29 =	sshll.u32 s25, $0x4;
	v29 =	vmul.f32 v31, v28;
	v28 =	vadd.f32 v30, v26;
	v26 =	vld [tilespmem:s2+$0x30];
	v27 =	vadd.f32 v24, v20  }
0x53: {  	s31 =	simm.s32 $0x0;
	v19 =	vadd.s32 s0, v0;
	s0 =	sadd.s32 $0x180, s28;
	v24 =	vld [tilespmem:s28+$0x30];
	v20 =	vadd.s32 s26, v0;
	s26 =	smov.u32 s2  }
.LBB2_4:
0x54: {  	v30 =	vld [tilespmem:s0+$0x40];
	v27 =	vadd.f32 v29, v27;
	v21 =	vmul.f32 v23, v21;
	s26 =	sadd.s32 $0x180, s26  }
0x55: {  	v23 =	vld [tilespmem:s26+$0x40]  }
0x56: {  	v29 =	vld [tilespmem:s0+$0x50];
	v22 =	vmul.f32 v25, v22;
	v21 =	vadd.f32 v21, v28  }
0x57: {  	s31 =	sadd.s32 $0x3, s31;
	v25 =	vld [tilespmem:s26+$0x50]  }
0x58: {  	p0 =	slt.u32 s31, $0xC;
	v28 =	vld [tilespmem:s0+$0x60];
	v22 =	vadd.f32 v22, v27;
	v24 =	vmul.f32 v26, v24  }
0x59: {  	v26 =	vld [tilespmem:s26+$0x60]  }
0x5a: {  	v27 =	vld [tilespmem:s0+$0x70];
	[tilespmem:v19+s17+$0x0] =	vst.idx.msk $0xffff, v22;
	v19 =	vadd.f32 v24, v21  }
0x5b: {  	v21 =	vld [tilespmem:s26+$0x70]  }
0x5c: {  	v22 =	vmul.f32 v23, v30;
	v23 =	vmul.f32 v25, v29;
	v24 =	vld [tilespmem:s0+$0x80];
	[tilespmem:v20+s17+$0x0] =	vst.idx.msk $0xffff, v19  }
0x5d: {  	v19 =	vld [tilespmem:s26+$0x80]  }
0x5e: {  	v20 =	vadd.f32 v23, v22;
	v22 =	vmul.f32 v26, v28;
	v23 =	vld [tilespmem:s0+$0x90]  }
0x5f: {  	v25 =	vld [tilespmem:s26+$0x90]  }
0x60: {  	v20 =	vadd.f32 v22, v20;
	v21 =	vmul.f32 v21, v27;
	v22 =	vld [tilespmem:s0+$0xA0]  }
0x61: {  	v26 =	vld [tilespmem:s26+$0xA0]  }
0x62: {  	v20 =	vadd.f32 v21, v20;
	v19 =	vmul.f32 v19, v24;
	v21 =	vld [tilespmem:s0+$0xB0]  }
0x63: {  	v24 =	vld [tilespmem:s26+$0xB0]  }
0x64: {  	v27 =	vld [tilespmem:s26+$0xFFFFFF40];
	v19 =	vadd.f32 v19, v20;
	v20 =	vmul.f32 v25, v23  }
0x65: {  	v23 =	vld [tilespmem:s0+$0xFFFFFF50]  }
0x66: {  	s30 =	sadd.s32 $0x33, s30;
	v25 =	vld [tilespmem:s26+$0xFFFFFF50];
	v20 =	vadd.f32 v20, v19;
	v22 =	vmul.f32 v26, v22  }
0x67: {  	s20 =	sadd.s32 $0xFFFFFFDE, s30;
	s9 =	sadd.s32 $0xFFFFFFEF, s30;
	v28 =	vadd.s32 s30, v0;
	v26 =	vld [tilespmem:s0+$0xFFFFFFC0]  }
0x68: {  	v19 =	vadd.s32 s20, v0;
	v29 =	vld [tilespmem:s26+$0xFFFFFFC0];
	v22 =	vadd.f32 v22, v20;
	v21 =	vmul.f32 v24, v21  }
0x69: {  	v20 =	vadd.s32 s9, v0;
	v24 =	vld [tilespmem:s0+$0xFFFFFFD0]  }
0x6a: {  	v30 =	vld [tilespmem:s26+$0xFFFFFFD0];
	v21 =	vadd.f32 v21, v22  }
0x6b: {  	v22 =	vld [tilespmem:s0+$0xFFFFFF40];
	v23 =	vmul.f32 v25, v23  }
0x6c: {  	v25 =	vld [tilespmem:s0+$0xFFFFFF60];
	[tilespmem:v28+s17+$0x0] =	vst.idx.msk $0xffff, v21  }
0x6d: {  	v21 =	vld [tilespmem:s26+$0xFFFFFF60];
	v26 =	vmul.f32 v29, v26  }
0x6e: {  	v28 =	vld [tilespmem:s0+$0xFFFFFFE0]  }
0x6f: {  	v24 =	vmul.f32 v30, v24;
	v29 =	vld [tilespmem:s26+$0xFFFFFFE0]  }
0x70: {  	v22 =	vmul.f32 v27, v22;
	v27 =	vld [tilespmem:s0+$0xFFFFFF70]  }
0x71: {  	v30 =	vld [tilespmem:s26+$0xFFFFFF70];
	v24 =	vadd.f32 v24, v26  }
0x72: {  	v22 =	vadd.f32 v23, v22;
	v21 =	vmul.f32 v21, v25;
	v23 =	vld [tilespmem:s0+$0xFFFFFFF0]  }
0x73: {  	v25 =	vld [tilespmem:s26+$0xFFFFFFF0]  }
0x74: {  	v21 =	vadd.f32 v21, v22;
	v22 =	vld [tilespmem:s0+$0xFFFFFF80];
	v26 =	vmul.f32 v29, v28  }
0x75: {  	v28 =	vld [tilespmem:s26+$0xFFFFFF80]  }
0x76: {  	v27 =	vmul.f32 v30, v27;
	v24 =	vadd.f32 v26, v24;
	v26 =	vld [tilespmem:s0+$0x0]  }
0x77: {  	v29 =	vld [tilespmem:s26+$0x0]  }
0x78: {  	v21 =	vadd.f32 v27, v21;
	v27 =	vld [tilespmem:s0+$0xFFFFFF90];
	v23 =	vmul.f32 v25, v23  }
0x79: {  	v25 =	vld [tilespmem:s26+$0xFFFFFF90]  }
0x7a: {  	v22 =	vmul.f32 v28, v22;
	v23 =	vadd.f32 v23, v24;
	v24 =	vld [tilespmem:s0+$0x10]  }
0x7b: {  	v28 =	vld [tilespmem:s26+$0x10]  }
0x7c: {  	v22 =	vadd.f32 v22, v21;
	v30 =	vld [tilespmem:s0+$0xFFFFFFA0];
	v21 =	vmul.f32 v29, v26  }
0x7d: {  	v26 =	vld [tilespmem:s26+$0xFFFFFFA0]  }
0x7e: {  	v25 =	vmul.f32 v25, v27;
	v31 =	vadd.f32 v21, v23;
	v21 =	vld [tilespmem:s0+$0x20]  }
.Ltmp0:
0x7f: {  	v23 =	vld [tilespmem:s26+$0x20];
	(pc) =	sbr.rel @p0 .LBB2_4-.Ltmp0, $4  }
0x80: {  	v27 =	vadd.f32 v25, v22;
	v22 =	vld [tilespmem:s0+$0xFFFFFFB0];
	v24 =	vmul.f32 v28, v24  }
0x81: {  	v25 =	vld [tilespmem:s26+$0xFFFFFFB0]  }
0x82: {  	v29 =	vmul.f32 v26, v30;
	v28 =	vadd.f32 v24, v31;
	v24 =	vld [tilespmem:s0+$0x30]  }
0x83: {  	s0 =	sadd.s32 $0x180, s0;
	v26 =	vld [tilespmem:s26+$0x30]  }
0x84: {  	_ =	sdelay $0x1  }
0x85: {  	v21 =	vmul.f32 v23, v21  }
0x86: {  	v41 =	vadd.f32 v29, v27;
	v22 =	vmul.f32 v25, v22  }
0x87: {  	v21 =	vadd.f32 v21, v28;
	v24 =	vmul.f32 v26, v24  }
0x88: {  	v22 =	vadd.f32 v22, v41  }
0x89: {  	v21 =	vadd.f32 v24, v21  }
0x8a: {  	[tilespmem:v19+s17+$0x0] =	vst.idx.msk $0xffff, v22  }
0x8b: {  	s0 =	sshll.u32 s25, $0xB;
	[tilespmem:v20+s17+$0x0] =	vst.idx.msk $0xffff, v21  }
0x8c: {  	v19 =	vld [tilespmem:s0+$0x5680]  }
0x8d: {  	v20 =	vld [tilespmem:s0+$0x7E80]  }
0x8e: {  	v21 =	vld [tilespmem:s0+$0x5690]  }
0x8f: {  	v22 =	vld [tilespmem:s0+$0x7E90]  }
0x90: {  	v42 =	vld [tilespmem:s0+$0x56A0]  }
0x91: {  	v43 =	vld [tilespmem:s0+$0x7EA0]  }
0x92: {  	v44 =	vld [tilespmem:s0+$0x56B0]  }
0x93: {  	v45 =	vld [tilespmem:s0+$0x7EB0]  }
0x94: {  	v46 =	vld [tilespmem:s0+$0x56C0];
	v19 =	vmul.f32 v20, v19;
	v20 =	vmul.f32 v22, v21  }
0x95: {  	v47 =	vld [tilespmem:s0+$0x7EC0]  }
0x96: {  	v48 =	vld [tilespmem:s0+$0x56D0];
	v19 =	vadd.f32 v20, v19;
	v20 =	vmul.f32 v43, v42  }
0x97: {  	v49 =	vld [tilespmem:s0+$0x7ED0]  }
0x98: {  	v50 =	vld [tilespmem:s0+$0x56E0];
	v19 =	vadd.f32 v20, v19;
	v20 =	vmul.f32 v45, v44  }
0x99: {  	v51 =	vld [tilespmem:s0+$0x7EE0]  }
0x9a: {  	v52 =	vld [tilespmem:s0+$0x56F0];
	v19 =	vadd.f32 v20, v19;
	v20 =	vmul.f32 v47, v46  }
0x9b: {  	v53 =	vld [tilespmem:s0+$0x7EF0]  }
0x9c: {  	v19 =	vadd.f32 v20, v19;
	v20 =	vmul.f32 v49, v48;
	_ =	sdelay $0x1  }
0x9d: {  	v19 =	vadd.f32 v20, v19;
	v20 =	vmul.f32 v51, v50;
	_ =	sdelay $0x1  }
0x9e: {  	v19 =	vadd.f32 v20, v19;
	v20 =	vmul.f32 v53, v52;
	_ =	sdelay $0x1  }
0x9f: {  	v19 =	vadd.f32 v20, v19;
	_ =	sdelay $0x1  }
0xa0: {  	[tilespmem:v2+s17+$0x0] =	vst.idx.msk $0xffff, v19  }
0xa1: {  	v19 =	vld.idx.msk [tilespmem:v1+s17+$0x0], $0xffff  }
0xa2: {  	v20 =	vld.idx.msk [tilespmem:v3+s17+$0x0], $0xffff;
	_ =	sdelay $0x1  }
0xa3: {  	v54 =	vld.idx.msk [tilespmem:v4+s17+$0x0], $0xffff;
	_ =	sdelay $0x1  }
0xa4: {  	v55 =	vld.idx.msk [tilespmem:v5+s17+$0x0], $0xffff  }
0xa5: {  	v19 =	vadd.f32 v20, v19  }
0xa6: {  	v20 =	vld.idx.msk [tilespmem:v6+s17+$0x0], $0xffff  }
0xa7: {  	v19 =	vadd.f32 v54, v19  }
0xa8: {  	v56 =	vld.idx.msk [tilespmem:v7+s17+$0x0], $0xffff  }
0xa9: {  	v19 =	vadd.f32 v55, v19  }
0xaa: {  	v57 =	vld.idx.msk [tilespmem:v8+s17+$0x0], $0xffff  }
0xab: {  	v19 =	vadd.f32 v20, v19  }
0xac: {  	v20 =	vld.idx.msk [tilespmem:v9+s17+$0x0], $0xffff  }
0xad: {  	v19 =	vadd.f32 v56, v19  }
0xae: {  	v58 =	vld.idx.msk [tilespmem:v10+s17+$0x0], $0xffff  }
0xaf: {  	v19 =	vadd.f32 v57, v19  }
0xb0: {  	v59 =	vld.idx.msk [tilespmem:v11+s17+$0x0], $0xffff  }
0xb1: {  	v19 =	vadd.f32 v20, v19  }
0xb2: {  	v20 =	vld.idx.msk [tilespmem:v12+s17+$0x0], $0xffff  }
0xb3: {  	v19 =	vadd.f32 v58, v19  }
0xb4: {  	v60 =	vld.idx.msk [tilespmem:v13+s17+$0x0], $0xffff  }
0xb5: {  	v19 =	vadd.f32 v59, v19  }
0xb6: {  	v61 =	vld.idx.msk [tilespmem:v14+s17+$0x0], $0xffff  }
0xb7: {  	v19 =	vadd.f32 v20, v19  }
0xb8: {  	v20 =	vld.idx.msk [tilespmem:v15+s17+$0x0], $0xffff  }
0xb9: {  	v19 =	vadd.f32 v60, v19  }
0xba: {  	v62 =	vld.idx.msk [tilespmem:v16+s17+$0x0], $0xffff  }
0xbb: {  	v19 =	vadd.f32 v61, v19  }
0xbc: {  	v63 =	vld.idx.msk [tilespmem:v17+s17+$0x0], $0xffff  }
0xbd: {  	v19 =	vadd.f32 v20, v19;
	_ =	sdelay $0x1  }
0xbe: {  	v19 =	vadd.f32 v62, v19;
	_ =	sdelay $0x1  }
0xbf: {  	v19 =	vadd.f32 v63, v19;
	_ =	sdelay $0x1  }
0xc0: {  	v19 =	vsub.f32 $0.0e+00, v19;
	_ =	sdelay $0x1  }
0xc1: {  	v19 =	vmul.f32 $1.442695020e+00, v19;
	_ =	sdelay $0x1  }
0xc2: {  	(erf) = vpow2.f32 v19;
	_ =	sdelay $0x8  }
0xc3: {  	v19 =	vpop (erf)  }
0xc4: {  	v19 =	vadd.f32 $1.000000000e+00, v19;
	_ =	sdelay $0x1  }
0xc5: {  	(erf) = vrcp.f32 v19;
	_ =	sdelay $0x3  }
0xc6: {  	s25 =	sadd.s32 $0x1, s25  }
0xc7: {  	p0 =	sne.s32 s25, $0x5  }
.Ltmp1:
0xc8: {  	_ = 	snop;
	(pc) =	sbr.rel @p0 .LBB2_3-.Ltmp1, $3  }
0xc9: {  	_ =	sdelay $0x1  }
0xca: {  	v19 =	vpop (erf)  }
0xcb: {  	s2 =	sadd.s32 $0x800, s2;
	s28 =	sadd.s32 $0x800, s28;
	[tilespmem:v18+s29+$0x0 ss:$0x1] =	vst.idx.msk $0xffff, v19  }
0xcc: {  	s0 =	sadd.s32 $0xA0, s24  }
0xcd: {  	[tilespmem:s11], [sflag:$0x1] =	stream.indirect.gather [hbm4b:s1+s10], $0x80, s0, s10, $0xb8;
	[tilespmem:$0x11800] =	vst v63  }
0xce: {  	s30 =	sadd.s32 $0x2820, s24  }
0xcf: {  	[tilespmem:s12], [sflag:$0x2] =	stream.indirect.gather [hbm4b:s1+s10], $0x80, s30, s10, $0xb8;
	[tilespmem:$0x11800] =	vst v63  }
0xd0: {  	_ =	swait.ge [sflag:s18], $0x2800  }
0xd1: {  	[sflag:s18] =	ssyncset.done $0x0  }
0xd2: {  	[sflag:s18] =	ssyncadd.s32 $0xFFFFD800  }
0xd3: {  	_ =	swait.ge [sflag:s19], $0x2800  }
0xd4: {  	s31 =	sadd.s32 $0xEF00, s23;
	s23 =	simm.s32 $0x0;
	[sflag:s19] =	ssyncset.done $0x0  }
0xd5: {  	s24 =	simm.s32 $0xC7C0;
	s25 =	simm.s32 $0x9FC0;
	v18 =	vmov s31;
	[sflag:s19] =	ssyncadd.s32 $0xFFFFD800  }
.LBB2_7:
0xd6: {  	v19 =	vld [tilespmem:s25+$0x40]  }
0xd7: {  	v20 =	vld [tilespmem:s24+$0x40]  }
0xd8: {  	v21 =	vld [tilespmem:s25+$0x50]  }
0xd9: {  	v22 =	vld [tilespmem:s24+$0x50]  }
0xda: {  	v23 =	vld [tilespmem:s25+$0x60]  }
0xdb: {  	v24 =	vld [tilespmem:s24+$0x60]  }
0xdc: {  	v25 =	vld [tilespmem:s25+$0x70]  }
0xdd: {  	v26 =	vld [tilespmem:s24+$0x70]  }
0xde: {  	v27 =	vld [tilespmem:s25+$0x80]  }
0xdf: {  	v28 =	vld [tilespmem:s24+$0x80]  }
0xe0: {  	v29 =	vld [tilespmem:s25+$0x90]  }
0xe1: {  	v30 =	vld [tilespmem:s24+$0x90]  }
0xe2: {  	v31 =	vld [tilespmem:s25+$0xA0]  }
0xe3: {  	v32 =	vld [tilespmem:s24+$0xA0]  }
0xe4: {  	v33 =	vld [tilespmem:s25+$0xB0]  }
0xe5: {  	v34 =	vld [tilespmem:s24+$0xB0]  }
0xe6: {  	v35 =	vld [tilespmem:s24+$0xFFFFFF40]  }
0xe7: {  	v36 =	vld [tilespmem:s25+$0xFFFFFF50]  }
0xe8: {  	v37 =	vld [tilespmem:s24+$0xFFFFFF50]  }
0xe9: {  	v38 =	vld [tilespmem:s25+$0xFFFFFFC0]  }
0xea: {  	v39 =	vld [tilespmem:s24+$0xFFFFFFC0]  }
0xeb: {  	v40 =	vld [tilespmem:s25+$0xFFFFFFD0]  }
0xec: {  	v41 =	vld [tilespmem:s24+$0xFFFFFFD0]  }
0xed: {  	v42 =	vld [tilespmem:s25+$0xFFFFFF40]  }
0xee: {  	v43 =	vld [tilespmem:s25+$0xFFFFFF60]  }
0xef: {  	v44 =	vld [tilespmem:s24+$0xFFFFFF60]  }
0xf0: {  	v45 =	vld [tilespmem:s25+$0xFFFFFFE0]  }
0xf1: {  	v46 =	vld [tilespmem:s24+$0xFFFFFFE0]  }
0xf2: {  	v56 =	vld [tilespmem:s25+$0xFFFFFF90];
	v19 =	vmul.f32 v20, v19;
	v20 =	vmul.f32 v22, v21  }
0xf3: {  	v21 =	vld [tilespmem:s25+$0xFFFFFF70]  }
0xf4: {  	v22 =	vld [tilespmem:s24+$0xFFFFFF70];
	v19 =	vadd.f32 v20, v19;
	v20 =	vmul.f32 v24, v23  }
0xf5: {  	v23 =	vld [tilespmem:s25+$0xFFFFFFF0]  }
0xf6: {  	v24 =	vld [tilespmem:s24+$0xFFFFFFF0];
	v19 =	vadd.f32 v20, v19;
	v20 =	vmul.f32 v26, v25  }
0xf7: {  	v25 =	vld [tilespmem:s25+$0xFFFFFF80]  }
0xf8: {  	s28 =	simm.s32 $0x22;
	v57 =	vmul.f32 v39, v38;
	v26 =	vld [tilespmem:s24+$0xFFFFFF80];
	v19 =	vadd.f32 v20, v19;
	v20 =	vmul.f32 v28, v27  }
0xf9: {  	v63 =	vadd.s32 s28, v0;
	v58 =	vmul.f32 v41, v40;
	v27 =	vld [tilespmem:s25+$0x0];
	v28 =	vmul.f32 v30, v29  }
0xfa: {  	v29 =	vld [tilespmem:s24+$0x0];
	v30 =	vmul.f32 v35, v42;
	v19 =	vadd.f32 v20, v19;
	v20 =	vmul.f32 v37, v36  }
0xfb: {  	v59 =	vld [tilespmem:s24+$0xFFFFFF90];
	v31 =	vmul.f32 v32, v31;
	v61 =	vmul.f32 v46, v45;
	v60 =	vadd.f32 v58, v57  }
0xfc: {  	v62 =	vld [tilespmem:s24+$0x10];
	v19 =	vadd.f32 v28, v19;
	v20 =	vadd.f32 v20, v30;
	v28 =	vmul.f32 v44, v43  }
0xfd: {  	v21 =	vmul.f32 v22, v21;
	v22 =	vadd.f32 v61, v60;
	v23 =	vmul.f32 v24, v23;
	v30 =	vld [tilespmem:s25+$0x10]  }
0xfe: {  	v24 =	vmul.f32 v26, v25;
	v25 =	vmul.f32 v34, v33;
	v20 =	vadd.f32 v28, v20;
	v28 =	vld [tilespmem:s25+$0xFFFFFFA0]  }
0xff: {  	v26 =	vadd.f32 v23, v22;
	v27 =	vmul.f32 v29, v27;
	v19 =	vadd.f32 v31, v19;
	v31 =	vld [tilespmem:s24+$0xFFFFFFA0]  }
0x100: {  	v23 =	vld [tilespmem:s24+$0x20];
	v20 =	vadd.f32 v21, v20  }
0x101: {  	v26 =	vadd.f32 v27, v26;
	v21 =	vld [tilespmem:s25+$0x20];
	v29 =	vadd.f32 v25, v19  }
0x102: {  	v22 =	vld [tilespmem:s25+$0xFFFFFFB0];
	v30 =	vmul.f32 v62, v30;
	v20 =	vadd.f32 v24, v20;
	v24 =	vmul.f32 v59, v56  }
0x103: {  	v25 =	vld [tilespmem:s24+$0xFFFFFFB0];
	[tilespmem:v63+s17+$0x0] =	vst.idx.msk $0xffff, v29  }
0x104: {  	s0 =	simm.s32 $0x0;
	s2 =	simm.s32 $0x11;
	s26 =	sshll.u32 s23, $0x4;
	v29 =	vmul.f32 v31, v28;
	v28 =	vadd.f32 v30, v26;
	v26 =	vld [tilespmem:s24+$0x30];
	v27 =	vadd.f32 v24, v20  }
0x105: {  	s29 =	simm.s32 $0x0;
	v19 =	vadd.s32 s0, v0;
	s0 =	sadd.s32 $0x180, s25;
	v24 =	vld [tilespmem:s25+$0x30];
	v20 =	vadd.s32 s2, v0;
	s2 =	smov.u32 s24  }
.LBB2_8:
0x106: {  	v30 =	vld [tilespmem:s0+$0x40];
	v27 =	vadd.f32 v29, v27;
	v21 =	vmul.f32 v23, v21;
	s2 =	sadd.s32 $0x180, s2  }
0x107: {  	v23 =	vld [tilespmem:s2+$0x40]  }
0x108: {  	v29 =	vld [tilespmem:s0+$0x50];
	v22 =	vmul.f32 v25, v22;
	v21 =	vadd.f32 v21, v28  }
0x109: {  	s29 =	sadd.s32 $0x3, s29;
	v25 =	vld [tilespmem:s2+$0x50]  }
0x10a: {  	p0 =	slt.u32 s29, $0xC;
	v28 =	vld [tilespmem:s0+$0x60];
	v22 =	vadd.f32 v22, v27;
	v24 =	vmul.f32 v26, v24  }
0x10b: {  	v26 =	vld [tilespmem:s2+$0x60]  }
0x10c: {  	v27 =	vld [tilespmem:s0+$0x70];
	[tilespmem:v19+s17+$0x0] =	vst.idx.msk $0xffff, v22;
	v19 =	vadd.f32 v24, v21  }
0x10d: {  	v21 =	vld [tilespmem:s2+$0x70]  }
0x10e: {  	v22 =	vmul.f32 v23, v30;
	v23 =	vmul.f32 v25, v29;
	v24 =	vld [tilespmem:s0+$0x80];
	[tilespmem:v20+s17+$0x0] =	vst.idx.msk $0xffff, v19  }
0x10f: {  	v19 =	vld [tilespmem:s2+$0x80]  }
0x110: {  	v20 =	vadd.f32 v23, v22;
	v22 =	vmul.f32 v26, v28;
	v23 =	vld [tilespmem:s0+$0x90]  }
0x111: {  	v25 =	vld [tilespmem:s2+$0x90]  }
0x112: {  	v20 =	vadd.f32 v22, v20;
	v21 =	vmul.f32 v21, v27;
	v22 =	vld [tilespmem:s0+$0xA0]  }
0x113: {  	v26 =	vld [tilespmem:s2+$0xA0]  }
0x114: {  	v20 =	vadd.f32 v21, v20;
	v19 =	vmul.f32 v19, v24;
	v21 =	vld [tilespmem:s0+$0xB0]  }
0x115: {  	v24 =	vld [tilespmem:s2+$0xB0]  }
0x116: {  	v27 =	vld [tilespmem:s2+$0xFFFFFF40];
	v19 =	vadd.f32 v19, v20;
	v20 =	vmul.f32 v25, v23  }
0x117: {  	v23 =	vld [tilespmem:s0+$0xFFFFFF50]  }
0x118: {  	s28 =	sadd.s32 $0x33, s28;
	v25 =	vld [tilespmem:s2+$0xFFFFFF50];
	v20 =	vadd.f32 v20, v19;
	v22 =	vmul.f32 v26, v22  }
0x119: {  	s9 =	sadd.s32 $0xFFFFFFDE, s28;
	s20 =	sadd.s32 $0xFFFFFFEF, s28;
	v28 =	vadd.s32 s28, v0;
	v26 =	vld [tilespmem:s0+$0xFFFFFFC0]  }
0x11a: {  	v19 =	vadd.s32 s9, v0;
	v29 =	vld [tilespmem:s2+$0xFFFFFFC0];
	v22 =	vadd.f32 v22, v20;
	v21 =	vmul.f32 v24, v21  }
0x11b: {  	v20 =	vadd.s32 s20, v0;
	v24 =	vld [tilespmem:s0+$0xFFFFFFD0]  }
0x11c: {  	v30 =	vld [tilespmem:s2+$0xFFFFFFD0];
	v21 =	vadd.f32 v21, v22  }
0x11d: {  	v22 =	vld [tilespmem:s0+$0xFFFFFF40];
	v23 =	vmul.f32 v25, v23  }
0x11e: {  	v25 =	vld [tilespmem:s0+$0xFFFFFF60];
	[tilespmem:v28+s17+$0x0] =	vst.idx.msk $0xffff, v21  }
0x11f: {  	v21 =	vld [tilespmem:s2+$0xFFFFFF60];
	v26 =	vmul.f32 v29, v26  }
0x120: {  	v28 =	vld [tilespmem:s0+$0xFFFFFFE0]  }
0x121: {  	v24 =	vmul.f32 v30, v24;
	v29 =	vld [tilespmem:s2+$0xFFFFFFE0]  }
0x122: {  	v22 =	vmul.f32 v27, v22;
	v27 =	vld [tilespmem:s0+$0xFFFFFF70]  }
0x123: {  	v30 =	vld [tilespmem:s2+$0xFFFFFF70];
	v24 =	vadd.f32 v24, v26  }
0x124: {  	v22 =	vadd.f32 v23, v22;
	v21 =	vmul.f32 v21, v25;
	v23 =	vld [tilespmem:s0+$0xFFFFFFF0]  }
0x125: {  	v25 =	vld [tilespmem:s2+$0xFFFFFFF0]  }
0x126: {  	v21 =	vadd.f32 v21, v22;
	v22 =	vld [tilespmem:s0+$0xFFFFFF80];
	v26 =	vmul.f32 v29, v28  }
0x127: {  	v28 =	vld [tilespmem:s2+$0xFFFFFF80]  }
0x128: {  	v27 =	vmul.f32 v30, v27;
	v24 =	vadd.f32 v26, v24;
	v26 =	vld [tilespmem:s0+$0x0]  }
0x129: {  	v29 =	vld [tilespmem:s2+$0x0]  }
0x12a: {  	v21 =	vadd.f32 v27, v21;
	v27 =	vld [tilespmem:s0+$0xFFFFFF90];
	v23 =	vmul.f32 v25, v23  }
0x12b: {  	v25 =	vld [tilespmem:s2+$0xFFFFFF90]  }
0x12c: {  	v22 =	vmul.f32 v28, v22;
	v23 =	vadd.f32 v23, v24;
	v24 =	vld [tilespmem:s0+$0x10]  }
0x12d: {  	v28 =	vld [tilespmem:s2+$0x10]  }
0x12e: {  	v22 =	vadd.f32 v22, v21;
	v30 =	vld [tilespmem:s0+$0xFFFFFFA0];
	v21 =	vmul.f32 v29, v26  }
0x12f: {  	v26 =	vld [tilespmem:s2+$0xFFFFFFA0]  }
0x130: {  	v25 =	vmul.f32 v25, v27;
	v31 =	vadd.f32 v21, v23;
	v21 =	vld [tilespmem:s0+$0x20]  }
.Ltmp2:
0x131: {  	v23 =	vld [tilespmem:s2+$0x20];
	(pc) =	sbr.rel @p0 .LBB2_8-.Ltmp2, $4  }
0x132: {  	v27 =	vadd.f32 v25, v22;
	v22 =	vld [tilespmem:s0+$0xFFFFFFB0];
	v24 =	vmul.f32 v28, v24  }
0x133: {  	v25 =	vld [tilespmem:s2+$0xFFFFFFB0]  }
0x134: {  	v29 =	vmul.f32 v26, v30;
	v28 =	vadd.f32 v24, v31;
	v24 =	vld [tilespmem:s0+$0x30]  }
0x135: {  	s0 =	sadd.s32 $0x180, s0;
	v26 =	vld [tilespmem:s2+$0x30]  }
0x136: {  	_ =	sdelay $0x1  }
0x137: {  	v21 =	vmul.f32 v23, v21  }
0x138: {  	v41 =	vadd.f32 v29, v27;
	v22 =	vmul.f32 v25, v22  }
0x139: {  	v21 =	vadd.f32 v21, v28;
	v24 =	vmul.f32 v26, v24  }
0x13a: {  	v22 =	vadd.f32 v22, v41  }
0x13b: {  	v21 =	vadd.f32 v24, v21  }
0x13c: {  	[tilespmem:v19+s17+$0x0] =	vst.idx.msk $0xffff, v22  }
0x13d: {  	s0 =	sshll.u32 s23, $0xB;
	[tilespmem:v20+s17+$0x0] =	vst.idx.msk $0xffff, v21  }
0x13e: {  	v19 =	vld [tilespmem:s0+$0xA680]  }
0x13f: {  	v20 =	vld [tilespmem:s0+$0xCE80]  }
0x140: {  	v21 =	vld [tilespmem:s0+$0xA690]  }
0x141: {  	v22 =	vld [tilespmem:s0+$0xCE90]  }
0x142: {  	v42 =	vld [tilespmem:s0+$0xA6A0]  }
0x143: {  	v43 =	vld [tilespmem:s0+$0xCEA0]  }
0x144: {  	v44 =	vld [tilespmem:s0+$0xA6B0]  }
0x145: {  	v45 =	vld [tilespmem:s0+$0xCEB0]  }
0x146: {  	v46 =	vld [tilespmem:s0+$0xA6C0];
	v19 =	vmul.f32 v20, v19;
	v20 =	vmul.f32 v22, v21  }
0x147: {  	v47 =	vld [tilespmem:s0+$0xCEC0]  }
0x148: {  	v48 =	vld [tilespmem:s0+$0xA6D0];
	v19 =	vadd.f32 v20, v19;
	v20 =	vmul.f32 v43, v42  }
0x149: {  	v49 =	vld [tilespmem:s0+$0xCED0]  }
0x14a: {  	v50 =	vld [tilespmem:s0+$0xA6E0];
	v19 =	vadd.f32 v20, v19;
	v20 =	vmul.f32 v45, v44  }
0x14b: {  	v51 =	vld [tilespmem:s0+$0xCEE0]  }
0x14c: {  	v52 =	vld [tilespmem:s0+$0xA6F0];
	v19 =	vadd.f32 v20, v19;
	v20 =	vmul.f32 v47, v46  }
0x14d: {  	v53 =	vld [tilespmem:s0+$0xCEF0]  }
0x14e: {  	v19 =	vadd.f32 v20, v19;
	v20 =	vmul.f32 v49, v48;
	_ =	sdelay $0x1  }
0x14f: {  	v19 =	vadd.f32 v20, v19;
	v20 =	vmul.f32 v51, v50;
	_ =	sdelay $0x1  }
0x150: {  	v19 =	vadd.f32 v20, v19;
	v20 =	vmul.f32 v53, v52;
	_ =	sdelay $0x1  }
0x151: {  	v19 =	vadd.f32 v20, v19;
	_ =	sdelay $0x1  }
0x152: {  	[tilespmem:v2+s17+$0x0] =	vst.idx.msk $0xffff, v19  }
0x153: {  	v19 =	vld.idx.msk [tilespmem:v1+s17+$0x0], $0xffff  }
0x154: {  	v20 =	vld.idx.msk [tilespmem:v3+s17+$0x0], $0xffff;
	_ =	sdelay $0x1  }
0x155: {  	v54 =	vld.idx.msk [tilespmem:v4+s17+$0x0], $0xffff;
	_ =	sdelay $0x1  }
0x156: {  	v55 =	vld.idx.msk [tilespmem:v5+s17+$0x0], $0xffff  }
0x157: {  	v19 =	vadd.f32 v20, v19  }
0x158: {  	v20 =	vld.idx.msk [tilespmem:v6+s17+$0x0], $0xffff  }
0x159: {  	v19 =	vadd.f32 v54, v19  }
0x15a: {  	v56 =	vld.idx.msk [tilespmem:v7+s17+$0x0], $0xffff  }
0x15b: {  	v19 =	vadd.f32 v55, v19  }
0x15c: {  	v57 =	vld.idx.msk [tilespmem:v8+s17+$0x0], $0xffff  }
0x15d: {  	v19 =	vadd.f32 v20, v19  }
0x15e: {  	v20 =	vld.idx.msk [tilespmem:v9+s17+$0x0], $0xffff  }
0x15f: {  	v19 =	vadd.f32 v56, v19  }
0x160: {  	v58 =	vld.idx.msk [tilespmem:v10+s17+$0x0], $0xffff  }
0x161: {  	v19 =	vadd.f32 v57, v19  }
0x162: {  	v59 =	vld.idx.msk [tilespmem:v11+s17+$0x0], $0xffff  }
0x163: {  	v19 =	vadd.f32 v20, v19  }
0x164: {  	v20 =	vld.idx.msk [tilespmem:v12+s17+$0x0], $0xffff  }
0x165: {  	v19 =	vadd.f32 v58, v19  }
0x166: {  	v60 =	vld.idx.msk [tilespmem:v13+s17+$0x0], $0xffff  }
0x167: {  	v19 =	vadd.f32 v59, v19  }
0x168: {  	v61 =	vld.idx.msk [tilespmem:v14+s17+$0x0], $0xffff  }
0x169: {  	v19 =	vadd.f32 v20, v19  }
0x16a: {  	v20 =	vld.idx.msk [tilespmem:v15+s17+$0x0], $0xffff  }
0x16b: {  	v19 =	vadd.f32 v60, v19  }
0x16c: {  	v62 =	vld.idx.msk [tilespmem:v16+s17+$0x0], $0xffff  }
0x16d: {  	v19 =	vadd.f32 v61, v19  }
0x16e: {  	v63 =	vld.idx.msk [tilespmem:v17+s17+$0x0], $0xffff  }
0x16f: {  	v19 =	vadd.f32 v20, v19;
	_ =	sdelay $0x1  }
0x170: {  	v19 =	vadd.f32 v62, v19;
	_ =	sdelay $0x1  }
0x171: {  	v19 =	vadd.f32 v63, v19;
	_ =	sdelay $0x1  }
0x172: {  	v19 =	vsub.f32 $0.0e+00, v19;
	_ =	sdelay $0x1  }
0x173: {  	v19 =	vmul.f32 $1.442695020e+00, v19;
	_ =	sdelay $0x1  }
0x174: {  	(erf) = vpow2.f32 v19;
	_ =	sdelay $0x8  }
0x175: {  	v19 =	vpop (erf)  }
0x176: {  	v19 =	vadd.f32 $1.000000000e+00, v19;
	_ =	sdelay $0x1  }
0x177: {  	(erf) = vrcp.f32 v19;
	_ =	sdelay $0x3  }
0x178: {  	s23 =	sadd.s32 $0x1, s23  }
0x179: {  	p0 =	sne.s32 s23, $0x5  }
.Ltmp3:
0x17a: {  	_ = 	snop;
	(pc) =	sbr.rel @p0 .LBB2_7-.Ltmp3, $3  }
0x17b: {  	_ =	sdelay $0x1  }
0x17c: {  	v19 =	vpop (erf)  }
0x17d: {  	s24 =	sadd.s32 $0x800, s24;
	s25 =	sadd.s32 $0x800, s25;
	[tilespmem:v18+s26+$0x0 ss:$0x1] =	vst.idx.msk $0xffff, v19  }
0x17e: {  	s22 =	sadd.s32 $0x1, s22  }
0x17f: {  	p0 =	sne.s32 s22, $0x3E  }
.Ltmp4:
0x180: {  	_ = 	snop;
	(pc) =	sbr.rel @p0 .LBB2_2-.Ltmp4, $1  }
0x181: {  	_ =	sdelay $0x3  }
0x182: {  	_ =	swait.ge [sflag:s15], $0x2800  }
0x183: {  	[sflag:s15] =	ssyncset.done $0x0  }
0x184: {  	[sflag:s15] =	ssyncadd.s32 $0xFFFFD800  }
0x185: {  	_ =	swait.ge [sflag:s16], $0x2800  }
0x186: {  	s22 =	simm.s32 $0x0;
	[sflag:s16] =	ssyncset.done $0x0  }
0x187: {  	s23 =	simm.s32 $0x77C0;
	s24 =	simm.s32 $0x4FC0;
	[sflag:s16] =	ssyncadd.s32 $0xFFFFD800  }
.LBB2_12:
0x188: {  	v18 =	vld [tilespmem:s24+$0x40]  }
0x189: {  	v19 =	vld [tilespmem:s23+$0x40]  }
0x18a: {  	v20 =	vld [tilespmem:s24+$0x50]  }
0x18b: {  	v21 =	vld [tilespmem:s23+$0x50]  }
0x18c: {  	v22 =	vld [tilespmem:s24+$0x60]  }
0x18d: {  	v23 =	vld [tilespmem:s23+$0x60]  }
0x18e: {  	v24 =	vld [tilespmem:s24+$0x70]  }
0x18f: {  	v25 =	vld [tilespmem:s23+$0x70]  }
0x190: {  	v26 =	vld [tilespmem:s24+$0x80]  }
0x191: {  	v27 =	vld [tilespmem:s23+$0x80]  }
0x192: {  	v28 =	vld [tilespmem:s24+$0x90]  }
0x193: {  	v29 =	vld [tilespmem:s23+$0x90]  }
0x194: {  	v30 =	vld [tilespmem:s24+$0xA0]  }
0x195: {  	v31 =	vld [tilespmem:s23+$0xA0]  }
0x196: {  	v32 =	vld [tilespmem:s24+$0xB0]  }
0x197: {  	v33 =	vld [tilespmem:s23+$0xB0]  }
0x198: {  	v34 =	vld [tilespmem:s23+$0xFFFFFF40]  }
0x199: {  	v35 =	vld [tilespmem:s24+$0xFFFFFF50]  }
0x19a: {  	v36 =	vld [tilespmem:s23+$0xFFFFFF50]  }
0x19b: {  	v37 =	vld [tilespmem:s24+$0xFFFFFFC0]  }
0x19c: {  	v38 =	vld [tilespmem:s23+$0xFFFFFFC0]  }
0x19d: {  	v39 =	vld [tilespmem:s24+$0xFFFFFFD0]  }
0x19e: {  	v40 =	vld [tilespmem:s23+$0xFFFFFFD0]  }
0x19f: {  	v41 =	vld [tilespmem:s24+$0xFFFFFF40]  }
0x1a0: {  	v42 =	vld [tilespmem:s24+$0xFFFFFF60]  }
0x1a1: {  	v43 =	vld [tilespmem:s23+$0xFFFFFF60]  }
0x1a2: {  	v44 =	vld [tilespmem:s24+$0xFFFFFFE0]  }
0x1a3: {  	v45 =	vld [tilespmem:s23+$0xFFFFFFE0]  }
0x1a4: {  	v58 =	vld [tilespmem:s24+$0xFFFFFF90];
	v18 =	vmul.f32 v19, v18;
	v19 =	vmul.f32 v21, v20  }
0x1a5: {  	v20 =	vld [tilespmem:s24+$0xFFFFFF70]  }
0x1a6: {  	v21 =	vld [tilespmem:s23+$0xFFFFFF70];
	v18 =	vadd.f32 v19, v18;
	v19 =	vmul.f32 v23, v22  }
0x1a7: {  	v22 =	vld [tilespmem:s24+$0xFFFFFFF0]  }
0x1a8: {  	v23 =	vld [tilespmem:s23+$0xFFFFFFF0];
	v18 =	vadd.f32 v19, v18;
	v19 =	vmul.f32 v25, v24  }
0x1a9: {  	v59 =	vmul.f32 v38, v37;
	v24 =	vld [tilespmem:s24+$0xFFFFFF80]  }
0x1aa: {  	v60 =	vmul.f32 v40, v39;
	v25 =	vld [tilespmem:s23+$0xFFFFFF80];
	v18 =	vadd.f32 v19, v18;
	v19 =	vmul.f32 v27, v26  }
0x1ab: {  	v30 =	vmul.f32 v31, v30;
	v26 =	vld [tilespmem:s24+$0x0];
	v27 =	vmul.f32 v29, v28  }
0x1ac: {  	v28 =	vld [tilespmem:s23+$0x0];
	v29 =	vmul.f32 v34, v41;
	v18 =	vadd.f32 v19, v18;
	v19 =	vmul.f32 v36, v35  }
0x1ad: {  	v61 =	vld [tilespmem:s23+$0xFFFFFF90];
	v62 =	vmul.f32 v45, v44;
	v31 =	vadd.f32 v60, v59;
	v20 =	vmul.f32 v21, v20  }
0x1ae: {  	v63 =	vld [tilespmem:s23+$0x10];
	s26 =	simm.s32 $0x22;
	v18 =	vadd.f32 v27, v18;
	v19 =	vadd.f32 v19, v29;
	v27 =	vmul.f32 v43, v42  }
0x1af: {  	v21 =	vadd.f32 v62, v31;
	v31 =	vadd.s32 s26, v0;
	v22 =	vmul.f32 v23, v22;
	v29 =	vld [tilespmem:s24+$0x10]  }
0x1b0: {  	v23 =	vmul.f32 v25, v24;
	v24 =	vmul.f32 v33, v32;
	v19 =	vadd.f32 v27, v19;
	v27 =	vld [tilespmem:s24+$0xFFFFFFA0]  }
0x1b1: {  	v25 =	vadd.f32 v22, v21;
	v26 =	vmul.f32 v28, v26;
	v18 =	vadd.f32 v30, v18;
	v30 =	vld [tilespmem:s23+$0xFFFFFFA0]  }
0x1b2: {  	v22 =	vld [tilespmem:s23+$0x20];
	v19 =	vadd.f32 v20, v19  }
0x1b3: {  	v25 =	vadd.f32 v26, v25;
	v20 =	vld [tilespmem:s24+$0x20];
	v28 =	vadd.f32 v24, v18  }
0x1b4: {  	v21 =	vld [tilespmem:s24+$0xFFFFFFB0];
	v29 =	vmul.f32 v63, v29;
	v19 =	vadd.f32 v23, v19;
	v23 =	vmul.f32 v61, v58  }
0x1b5: {  	v24 =	vld [tilespmem:s23+$0xFFFFFFB0];
	[tilespmem:v31+s17+$0x0] =	vst.idx.msk $0xffff, v28  }
0x1b6: {  	s0 =	simm.s32 $0x0;
	s2 =	simm.s32 $0x11;
	s25 =	sshll.u32 s22, $0x4;
	v28 =	vmul.f32 v30, v27;
	v27 =	vadd.f32 v29, v25;
	v25 =	vld [tilespmem:s23+$0x30];
	v26 =	vadd.f32 v23, v19  }
0x1b7: {  	s28 =	simm.s32 $0x0;
	v18 =	vadd.s32 s0, v0;
	s0 =	sadd.s32 $0x180, s24;
	v23 =	vld [tilespmem:s24+$0x30];
	v19 =	vadd.s32 s2, v0;
	s2 =	smov.u32 s23  }
.LBB2_13:
0x1b8: {  	v29 =	vld [tilespmem:s0+$0x40];
	v26 =	vadd.f32 v28, v26;
	v20 =	vmul.f32 v22, v20;
	s2 =	sadd.s32 $0x180, s2  }
0x1b9: {  	v22 =	vld [tilespmem:s2+$0x40]  }
0x1ba: {  	v28 =	vld [tilespmem:s0+$0x50];
	v21 =	vmul.f32 v24, v21;
	v20 =	vadd.f32 v20, v27  }
0x1bb: {  	s28 =	sadd.s32 $0x3, s28;
	v24 =	vld [tilespmem:s2+$0x50]  }
0x1bc: {  	p0 =	slt.u32 s28, $0xC;
	v27 =	vld [tilespmem:s0+$0x60];
	v21 =	vadd.f32 v21, v26;
	v23 =	vmul.f32 v25, v23  }
0x1bd: {  	v25 =	vld [tilespmem:s2+$0x60]  }
0x1be: {  	v26 =	vld [tilespmem:s0+$0x70];
	[tilespmem:v18+s17+$0x0] =	vst.idx.msk $0xffff, v21;
	v18 =	vadd.f32 v23, v20  }
0x1bf: {  	v20 =	vld [tilespmem:s2+$0x70]  }
0x1c0: {  	v21 =	vmul.f32 v22, v29;
	v22 =	vmul.f32 v24, v28;
	v23 =	vld [tilespmem:s0+$0x80];
	[tilespmem:v19+s17+$0x0] =	vst.idx.msk $0xffff, v18  }
0x1c1: {  	v18 =	vld [tilespmem:s2+$0x80]  }
0x1c2: {  	v19 =	vadd.f32 v22, v21;
	v21 =	vmul.f32 v25, v27;
	v22 =	vld [tilespmem:s0+$0x90]  }
0x1c3: {  	v24 =	vld [tilespmem:s2+$0x90]  }
0x1c4: {  	v19 =	vadd.f32 v21, v19;
	v20 =	vmul.f32 v20, v26;
	v21 =	vld [tilespmem:s0+$0xA0]  }
0x1c5: {  	v25 =	vld [tilespmem:s2+$0xA0]  }
0x1c6: {  	v19 =	vadd.f32 v20, v19;
	v18 =	vmul.f32 v18, v23;
	v20 =	vld [tilespmem:s0+$0xB0]  }
0x1c7: {  	v23 =	vld [tilespmem:s2+$0xB0]  }
0x1c8: {  	v26 =	vld [tilespmem:s2+$0xFFFFFF40];
	v18 =	vadd.f32 v18, v19;
	v19 =	vmul.f32 v24, v22  }
0x1c9: {  	v22 =	vld [tilespmem:s0+$0xFFFFFF50]  }
0x1ca: {  	s26 =	sadd.s32 $0x33, s26;
	v24 =	vld [tilespmem:s2+$0xFFFFFF50];
	v19 =	vadd.f32 v19, v18;
	v21 =	vmul.f32 v25, v21  }
0x1cb: {  	s9 =	sadd.s32 $0xFFFFFFDE, s26;
	s20 =	sadd.s32 $0xFFFFFFEF, s26;
	v27 =	vadd.s32 s26, v0;
	v25 =	vld [tilespmem:s0+$0xFFFFFFC0]  }
0x1cc: {  	v18 =	vadd.s32 s9, v0;
	v28 =	vld [tilespmem:s2+$0xFFFFFFC0];
	v21 =	vadd.f32 v21, v19;
	v20 =	vmul.f32 v23, v20  }
0x1cd: {  	v19 =	vadd.s32 s20, v0;
	v23 =	vld [tilespmem:s0+$0xFFFFFFD0]  }
0x1ce: {  	v29 =	vld [tilespmem:s2+$0xFFFFFFD0];
	v20 =	vadd.f32 v20, v21  }
0x1cf: {  	v21 =	vld [tilespmem:s0+$0xFFFFFF40];
	v22 =	vmul.f32 v24, v22  }
0x1d0: {  	v24 =	vld [tilespmem:s0+$0xFFFFFF60];
	[tilespmem:v27+s17+$0x0] =	vst.idx.msk $0xffff, v20  }
0x1d1: {  	v20 =	vld [tilespmem:s2+$0xFFFFFF60];
	v25 =	vmul.f32 v28, v25  }
0x1d2: {  	v27 =	vld [tilespmem:s0+$0xFFFFFFE0]  }
0x1d3: {  	v23 =	vmul.f32 v29, v23;
	v28 =	vld [tilespmem:s2+$0xFFFFFFE0]  }
0x1d4: {  	v21 =	vmul.f32 v26, v21;
	v26 =	vld [tilespmem:s0+$0xFFFFFF70]  }
0x1d5: {  	v29 =	vld [tilespmem:s2+$0xFFFFFF70];
	v23 =	vadd.f32 v23, v25  }
0x1d6: {  	v21 =	vadd.f32 v22, v21;
	v20 =	vmul.f32 v20, v24;
	v22 =	vld [tilespmem:s0+$0xFFFFFFF0]  }
0x1d7: {  	v24 =	vld [tilespmem:s2+$0xFFFFFFF0]  }
0x1d8: {  	v20 =	vadd.f32 v20, v21;
	v21 =	vld [tilespmem:s0+$0xFFFFFF80];
	v25 =	vmul.f32 v28, v27  }
0x1d9: {  	v27 =	vld [tilespmem:s2+$0xFFFFFF80]  }
0x1da: {  	v26 =	vmul.f32 v29, v26;
	v23 =	vadd.f32 v25, v23;
	v25 =	vld [tilespmem:s0+$0x0]  }
0x1db: {  	v28 =	vld [tilespmem:s2+$0x0]  }
0x1dc: {  	v20 =	vadd.f32 v26, v20;
	v26 =	vld [tilespmem:s0+$0xFFFFFF90];
	v22 =	vmul.f32 v24, v22  }
0x1dd: {  	v24 =	vld [tilespmem:s2+$0xFFFFFF90]  }
0x1de: {  	v21 =	vmul.f32 v27, v21;
	v22 =	vadd.f32 v22, v23;
	v23 =	vld [tilespmem:s0+$0x10]  }
0x1df: {  	v27 =	vld [tilespmem:s2+$0x10]  }
0x1e0: {  	v21 =	vadd.f32 v21, v20;
	v29 =	vld [tilespmem:s0+$0xFFFFFFA0];
	v20 =	vmul.f32 v28, v25  }
0x1e1: {  	v25 =	vld [tilespmem:s2+$0xFFFFFFA0]  }
0x1e2: {  	v24 =	vmul.f32 v24, v26;
	v30 =	vadd.f32 v20, v22;
	v20 =	vld [tilespmem:s0+$0x20]  }
.Ltmp5:
0x1e3: {  	v22 =	vld [tilespmem:s2+$0x20];
	(pc) =	sbr.rel @p0 .LBB2_13-.Ltmp5, $4  }
0x1e4: {  	v26 =	vadd.f32 v24, v21;
	v21 =	vld [tilespmem:s0+$0xFFFFFFB0];
	v23 =	vmul.f32 v27, v23  }
0x1e5: {  	v24 =	vld [tilespmem:s2+$0xFFFFFFB0]  }
0x1e6: {  	v28 =	vmul.f32 v25, v29;
	v27 =	vadd.f32 v23, v30;
	v23 =	vld [tilespmem:s0+$0x30]  }
0x1e7: {  	s0 =	sadd.s32 $0x180, s0;
	v25 =	vld [tilespmem:s2+$0x30]  }
0x1e8: {  	_ =	sdelay $0x1  }
0x1e9: {  	v20 =	vmul.f32 v22, v20  }
0x1ea: {  	v41 =	vadd.f32 v28, v26;
	v21 =	vmul.f32 v24, v21  }
0x1eb: {  	v20 =	vadd.f32 v20, v27;
	v23 =	vmul.f32 v25, v23  }
0x1ec: {  	v21 =	vadd.f32 v21, v41  }
0x1ed: {  	v20 =	vadd.f32 v23, v20  }
0x1ee: {  	[tilespmem:v18+s17+$0x0] =	vst.idx.msk $0xffff, v21  }
0x1ef: {  	s0 =	sshll.u32 s22, $0xB;
	[tilespmem:v19+s17+$0x0] =	vst.idx.msk $0xffff, v20  }
0x1f0: {  	v18 =	vld [tilespmem:s0+$0x5680]  }
0x1f1: {  	v19 =	vld [tilespmem:s0+$0x7E80]  }
0x1f2: {  	v20 =	vld [tilespmem:s0+$0x5690]  }
0x1f3: {  	v21 =	vld [tilespmem:s0+$0x7E90]  }
0x1f4: {  	v42 =	vld [tilespmem:s0+$0x56A0]  }
0x1f5: {  	v43 =	vld [tilespmem:s0+$0x7EA0]  }
0x1f6: {  	v44 =	vld [tilespmem:s0+$0x56B0]  }
0x1f7: {  	v45 =	vld [tilespmem:s0+$0x7EB0]  }
0x1f8: {  	v46 =	vld [tilespmem:s0+$0x56C0];
	v18 =	vmul.f32 v19, v18;
	v19 =	vmul.f32 v21, v20  }
0x1f9: {  	v47 =	vld [tilespmem:s0+$0x7EC0]  }
0x1fa: {  	v48 =	vld [tilespmem:s0+$0x56D0];
	v18 =	vadd.f32 v19, v18;
	v19 =	vmul.f32 v43, v42  }
0x1fb: {  	v49 =	vld [tilespmem:s0+$0x7ED0]  }
0x1fc: {  	v50 =	vld [tilespmem:s0+$0x56E0];
	v18 =	vadd.f32 v19, v18;
	v19 =	vmul.f32 v45, v44  }
0x1fd: {  	v51 =	vld [tilespmem:s0+$0x7EE0]  }
0x1fe: {  	v52 =	vld [tilespmem:s0+$0x56F0];
	v18 =	vadd.f32 v19, v18;
	v19 =	vmul.f32 v47, v46  }
0x1ff: {  	v53 =	vld [tilespmem:s0+$0x7EF0]  }
0x200: {  	v18 =	vadd.f32 v19, v18;
	v19 =	vmul.f32 v49, v48;
	_ =	sdelay $0x1  }
0x201: {  	v18 =	vadd.f32 v19, v18;
	v19 =	vmul.f32 v51, v50;
	_ =	sdelay $0x1  }
0x202: {  	v18 =	vadd.f32 v19, v18;
	v19 =	vmul.f32 v53, v52;
	_ =	sdelay $0x1  }
0x203: {  	v18 =	vadd.f32 v19, v18;
	_ =	sdelay $0x1  }
0x204: {  	[tilespmem:v2+s17+$0x0] =	vst.idx.msk $0xffff, v18  }
0x205: {  	v18 =	vld.idx.msk [tilespmem:v1+s17+$0x0], $0xffff  }
0x206: {  	v19 =	vld.idx.msk [tilespmem:v3+s17+$0x0], $0xffff;
	_ =	sdelay $0x1  }
0x207: {  	v54 =	vld.idx.msk [tilespmem:v4+s17+$0x0], $0xffff;
	_ =	sdelay $0x1  }
0x208: {  	v55 =	vld.idx.msk [tilespmem:v5+s17+$0x0], $0xffff  }
0x209: {  	v18 =	vadd.f32 v19, v18  }
0x20a: {  	v19 =	vld.idx.msk [tilespmem:v6+s17+$0x0], $0xffff  }
0x20b: {  	v18 =	vadd.f32 v54, v18  }
0x20c: {  	v56 =	vld.idx.msk [tilespmem:v7+s17+$0x0], $0xffff  }
0x20d: {  	v18 =	vadd.f32 v55, v18  }
0x20e: {  	v57 =	vld.idx.msk [tilespmem:v8+s17+$0x0], $0xffff  }
0x20f: {  	v18 =	vadd.f32 v19, v18  }
0x210: {  	v19 =	vld.idx.msk [tilespmem:v9+s17+$0x0], $0xffff  }
0x211: {  	v18 =	vadd.f32 v56, v18  }
0x212: {  	v58 =	vld.idx.msk [tilespmem:v10+s17+$0x0], $0xffff  }
0x213: {  	v18 =	vadd.f32 v57, v18  }
0x214: {  	v59 =	vld.idx.msk [tilespmem:v11+s17+$0x0], $0xffff  }
0x215: {  	v18 =	vadd.f32 v19, v18  }
0x216: {  	v19 =	vld.idx.msk [tilespmem:v12+s17+$0x0], $0xffff  }
0x217: {  	v18 =	vadd.f32 v58, v18  }
0x218: {  	v60 =	vld.idx.msk [tilespmem:v13+s17+$0x0], $0xffff  }
0x219: {  	v18 =	vadd.f32 v59, v18  }
0x21a: {  	v61 =	vld.idx.msk [tilespmem:v14+s17+$0x0], $0xffff  }
0x21b: {  	v18 =	vadd.f32 v19, v18  }
0x21c: {  	v19 =	vld.idx.msk [tilespmem:v15+s17+$0x0], $0xffff  }
0x21d: {  	v18 =	vadd.f32 v60, v18  }
0x21e: {  	v62 =	vld.idx.msk [tilespmem:v16+s17+$0x0], $0xffff  }
0x21f: {  	v18 =	vadd.f32 v61, v18  }
0x220: {  	v63 =	vld.idx.msk [tilespmem:v17+s17+$0x0], $0xffff  }
0x221: {  	v18 =	vadd.f32 v19, v18;
	_ =	sdelay $0x1  }
0x222: {  	v18 =	vadd.f32 v62, v18;
	_ =	sdelay $0x1  }
0x223: {  	v18 =	vadd.f32 v63, v18;
	_ =	sdelay $0x1  }
0x224: {  	v18 =	vsub.f32 $0.0e+00, v18;
	_ =	sdelay $0x1  }
0x225: {  	v18 =	vmul.f32 $1.442695020e+00, v18;
	_ =	sdelay $0x1  }
0x226: {  	(erf) = vpow2.f32 v18;
	_ =	sdelay $0x8  }
0x227: {  	v18 =	vpop (erf)  }
0x228: {  	v18 =	vadd.f32 $1.000000000e+00, v18;
	_ =	sdelay $0x1  }
0x229: {  	(erf) = vrcp.f32 v18;
	_ =	sdelay $0x3  }
0x22a: {  	s22 =	sadd.s32 $0x1, s22  }
0x22b: {  	p0 =	sne.s32 s22, $0x5  }
.Ltmp6:
0x22c: {  	_ = 	snop;
	(pc) =	sbr.rel @p0 .LBB2_12-.Ltmp6, $3  }
0x22d: {  	_ =	sdelay $0x1  }
0x22e: {  	v18 =	vpop (erf)  }
0x22f: {  	s23 =	sadd.s32 $0x800, s23;
	s24 =	sadd.s32 $0x800, s24;
	[tilespmem:s25+$0x115C0] =	vst v18  }
0x230: {  	s21 =	sadd.s32 $0x1, s21  }
0x231: {  	p0 =	sne.s32 s21, s7  }
.Ltmp7:
0x232: {  	s0 =	simm.s32 $0xEF00;
	(pc) =	sbr.rel @p0 .LBB2_1-.Ltmp7, $4  }
0x233: {  	[hbm4b:s6+s3] =	stream.linear.scatter [tilespmem:s0], [sflag:$0x5], $0x2710, $0x38;
	[tilespmem:$0x11800] =	vst v63  }
0x234: {  	_ =	swait.ge [sflag:s8], $0x2710  }
0x235: {  	[sflag:s8] =	ssyncset.done $0x0  }
0x236: {  	[sflag:s8] =	ssyncadd.s32 $0xFFFFD8F0  }
0x237: {  	_ =	sfence.sel $0x180000  }
0x238: {  	[bflag:$0x0] =	sbarrier.arrive $0xFFFF  }
0x239: {  	_ =	strace $0x90000047  }
0x23a: {  	s0 =	stileid.u32;
	[bflag:$0x2] =	sbarrier.arrive $0xFFFF  }
0x23b: {  	p0 =	sne.s32 s0, $0x0;
	s0 =	rddreg [dreg:$0x4]  }
0x23c: {  	s0 =	sadd.s32 @!p0 $0x100000, s0  }
0x23d: {  	[sflag:s0] =	ssyncadd.tile.s32 @!p0 $0x1;
	_ =	shalt  }
.Lfunc_end2:
_tile_overlayer_lowered:
.L_overlay_start_2:
0x23e: {  	(tag) =	ssettag $0x2  }
0x23f: {  	s0 =	rddreg [dreg:$0x0];
	s2 =	stileid.u32  }
0x240: {  	s1 =	rddreg [dreg:$0x1];
	p0 =	sne.s32 s2, $0x0  }
0x241: {  	s3 =	rddreg [dreg:$0x2];
	[bflag:$0x3] =	sbarrier.arrive $0xFFFF;
	s2 =	simm.s32 @!p0 $0x1C05  }
0x242: {  	[timem:s3], [sflag:s2] =	dma.local @!p0 [hbm:s0], s1  }
0x243: {  	s0 =	simm.s32 @!p0 $0x5  }
0x244: {  	_ =	swait.ge @!p0 [sflag:s0], s1  }
0x245: {  	s1 =	ssub.s32 @!p0 $0x0, s1;
	[sflag:s0] =	ssyncset.done @!p0 $0x0  }
0x246: {  	[sflag:s0] =	ssyncadd.s32 @!p0 s1  }
0x247: {  	[bflag:$0x3] =	sbarrier.arrive $0xFFFF  }
0x248: {  	_ =	shalt  }

</sc_bundles>
